<compile_context>
chip_gen: v7x
topology: tpu7x:2x2x1
jax: 0.10.2.dev20260603
libtpu: 0.0.44.dev20260713+nightly
codegen_flags: <defaults>
</compile_context>

<pallas_src>
import functools

import jax
import jax.numpy as jnp
from jax import lax
from jax.experimental import pallas as pl
from jax.experimental.pallas import tpu as pltpu
from jax.experimental.pallas import tpu_sc as plsc

B, L = 4096, 50
N = B * L
D_OUT = 128
EMB_DIMS = (8, 4, 4, 3, 6, 5, 6, 3)
DIMS7 = EMB_DIMS[1:]
D_EMB = 39
D7 = 56

NC, NS = 2, 16
NW = NC * NS
PER_W = N // NW
CHUNK = 640
NCHUNK = PER_W // CHUNK
R7 = CHUNK * 7


def _sc_gather2(idx_ph, idx7, E_ph, tab7):
    mesh = plsc.VectorSubcoreMesh(core_axis_name="c", subcore_axis_name="s")

    scratch = []
    for _ in range(2):
        scratch += [pltpu.VMEM((CHUNK,), jnp.int32),
                    pltpu.VMEM((R7,), jnp.int32),
                    pltpu.VMEM((CHUNK, 8), jnp.float32),
                    pltpu.VMEM((R7, 8), jnp.float32)]
    scratch += [pltpu.SemaphoreType.DMA] * 12

    @functools.partial(
        pl.kernel,
        out_type=(jax.ShapeDtypeStruct((N, 8), jnp.float32),
                  jax.ShapeDtypeStruct((7 * N, 8), jnp.float32)),
        mesh=mesh,
        scratch_types=scratch,
        compiler_params=pltpu.CompilerParams(use_tc_tiling_on_sc=False),
    )
    def body(iph_hbm, i7_hbm, eph_hbm, t7_hbm, oph_hbm, o7_hbm,
             xph0, x70, gph0, g70, xph1, x71, gph1, g71,
             sxp0, sx70, sgp0, sg70, sop0, so70,
             sxp1, sx71, sgp1, sg71, sop1, so71):
        xph = (xph0, xph1)
        x7 = (x70, x71)
        gph = (gph0, gph1)
        g7 = (g70, g71)
        s_xph = (sxp0, sxp1)
        s_x7 = (sx70, sx71)
        s_gph = (sgp0, sgp1)
        s_g7 = (sg70, sg71)
        s_oph = (sop0, sop1)
        s_o7 = (so70, so71)

        wid = lax.axis_index("s") * NC + lax.axis_index("c")
        tok0 = wid * PER_W

        def start_idx(ci, X):
            t = tok0 + ci * CHUNK
            return (
                pltpu.async_copy(iph_hbm.at[pl.ds(t, CHUNK)], xph[X], s_xph[X]),
                pltpu.async_copy(i7_hbm.at[pl.ds(t * 7, R7)], x7[X], s_x7[X]),
            )

        pend_idx = [start_idx(0, 0),
                    start_idx(1, 1) if NCHUNK > 1 else None]
        pend_out = [None, None]

        for ci in range(NCHUNK):
            X = ci % 2
            t = tok0 + ci * CHUNK
            for d in pend_idx[X]:
                d.wait()
            if pend_out[X] is not None:
                for d in pend_out[X]:
                    d.wait()
            dg1 = pltpu.async_copy(eph_hbm.at[xph[X]], gph[X], s_gph[X])
            dg2 = pltpu.async_copy(t7_hbm.at[x7[X]], g7[X], s_g7[X])
            dg1.wait()
            dg2.wait()
            if ci + 2 < NCHUNK:
                pend_idx[X] = start_idx(ci + 2, X)
            pend_out[X] = (
                pltpu.async_copy(gph[X], oph_hbm.at[pl.ds(t, CHUNK), :],
                                 s_oph[X]),
                pltpu.async_copy(g7[X], o7_hbm.at[pl.ds(t * 7, R7), :],
                                 s_o7[X]),
            )

        for p in pend_out:
            if p is not None:
                for d in p:
                    d.wait()

    return body(idx_ph, idx7, E_ph, tab7)


TB = 1600
BBLK = TB // L


def _tc_body(ph_ref, c7_ref, flg_ref,
             wgp_ref, wg7_ref, wgf_ref, bg_ref,
             wpp_ref, wp7_ref, wpf_ref, bp_ref,
             gam_ref, bet_ref, out_ref):
    ph = ph_ref[:]
    c7 = c7_ref[:]
    f = flg_ref[:]

    def mm(x, w):
        return jnp.dot(x, w[:], preferred_element_type=jnp.float32)

    a = mm(ph, wgp_ref) + mm(c7, wg7_ref) + mm(f, wgf_ref) + bg_ref[:]
    gate = jax.nn.sigmoid(a)
    h = mm(ph, wpp_ref) + mm(c7, wp7_ref) + mm(f, wpf_ref) + bp_ref[:]
    z = gate * h
    mu = jnp.mean(z, axis=1, keepdims=True)
    zc = z - mu
    var = jnp.mean(zc * zc, axis=1, keepdims=True)
    out_ref[:] = (zc * lax.rsqrt(var + 1e-5) * gam_ref[:]
                  + bet_ref[:]).reshape(BBLK, L, D_OUT)


def _tc_fuse(ph, c7, flags2d, wgp, wg7, wgf, bg, wpp, wp7, wpf, bp,
             gamma, beta):
    grid = (N // TB,)
    full = lambda shape: pl.BlockSpec(shape, lambda i: (0, 0))
    return pl.pallas_call(
        _tc_body,
        grid=grid,
        in_specs=[
            pl.BlockSpec((TB, 8), lambda i: (i, 0)),
            pl.BlockSpec((TB, D7), lambda i: (i, 0)),
            pl.BlockSpec((TB, 5), lambda i: (i, 0)),
            full((8, D_OUT)), full((D7, D_OUT)), full((5, D_OUT)),
            full((1, D_OUT)),
            full((8, D_OUT)), full((D7, D_OUT)), full((5, D_OUT)),
            full((1, D_OUT)),
            full((1, D_OUT)), full((1, D_OUT)),
        ],
        out_specs=pl.BlockSpec((BBLK, L, D_OUT), lambda i: (i, 0, 0)),
        out_shape=jax.ShapeDtypeStruct((B, L, D_OUT), jnp.float32),
    )(ph, c7, flags2d, wgp, wg7, wgf, bg, wpp, wp7, wpf, bp, gamma, beta)


def _pad_weight7(W31):
    parts = []
    off = 0
    for d in DIMS7:
        parts.append(W31[off:off + d])
        if d < 8:
            parts.append(jnp.zeros((8 - d, D_OUT), W31.dtype))
        off += d
    return jnp.concatenate(parts, axis=0)


def kernel(page_hash, offset, cache_line, addr_alignment, stride, reuse_dist,
           locality_cluster, entropy, address_flags,
           E_ph, E_off, E_cl, E_aa, E_str, E_rd, E_lc, E_ent,
           W_flags, b_flags, W_gate, b_gate, W_proj, b_proj, gamma, beta):
    idx7_raw = (offset, cache_line, addr_alignment, stride,
                reuse_dist, locality_cluster, entropy)
    tables7 = (E_off, E_cl, E_aa, E_str, E_rd, E_lc, E_ent)
    flags2d = address_flags.reshape(N, 5)

    tab7 = jnp.concatenate(
        [E if d == 8 else jnp.pad(E, ((0, 0), (0, 8 - d)))
         for E, d in zip(tables7, DIMS7)], axis=0)
    bases = []
    acc = 0
    for E in tables7:
        bases.append(acc)
        acc += E.shape[0]
    idx7 = jnp.stack(
        [x.reshape(N) + b for x, b in zip(idx7_raw, bases)],
        axis=1).reshape(7 * N)
    idx_ph = page_hash.reshape(N)

    scale = jnp.mean(jnp.abs(W_flags)) + 1e-8
    Wq = jnp.clip(jnp.round(W_flags / scale), -1.0, 1.0) * scale
    wgp, wg7 = W_gate[:8], _pad_weight7(W_gate[8:D_EMB])
    wgf = Wq.T @ W_gate[D_EMB:]
    bg = (b_gate + b_flags @ W_gate[D_EMB:]).reshape(1, D_OUT)
    wpp, wp7 = W_proj[:8], _pad_weight7(W_proj[8:D_EMB])
    wpf = Wq.T @ W_proj[D_EMB:]
    bp = (b_proj + b_flags @ W_proj[D_EMB:]).reshape(1, D_OUT)

    ph, c7 = _sc_gather2(idx_ph, idx7, E_ph, tab7)
    return _tc_fuse(ph, c7.reshape(N, D7), flags2d,
                    wgp, wg7, wgf, bg, wpp, wp7, wpf, bp,
                    gamma.reshape(1, D_OUT), beta.reshape(1, D_OUT))

# --- scband reference (transcript-rebuilt; emitter-appended) ---
"""Pipeline reference for scband-bit-net-address-shape-encoder-43576738185547 (READ-ONLY COPY).

The authoritative reference and input builder live on the scoring server;
editing this copy changes nothing except your own understanding.
"""

import jax, jax.numpy as jnp
import numpy as np

PAGE_VOCAB = 1000000
REGION_VOCAB = 100000
B, L = 4096, 50
D_ADDR = 128
D_CAT = 8 + 4 + 4 + 3 + 6 + 5 + 6 + 3 + 5  # 44


def setup_inputs(seed: int = 0) -> dict:
    key = jax.random.key(seed)
    ks = jax.random.split(key, 32)
    inp = {}
    inp["page_hash"] = jax.random.randint(ks[0], (B, L), 0, PAGE_VOCAB, dtype=jnp.int32)
    inp["offset"] = jax.random.randint(ks[1], (B, L), 0, REGION_VOCAB, dtype=jnp.int32)
    inp["cache_line"] = jax.random.randint(ks[2], (B, L), 0, REGION_VOCAB, dtype=jnp.int32)
    inp["addr_alignment"] = jax.random.randint(ks[3], (B, L), 0, REGION_VOCAB, dtype=jnp.int32)
    inp["stride"] = jax.random.randint(ks[4], (B, L), 0, REGION_VOCAB, dtype=jnp.int32)
    inp["reuse_dist"] = jax.random.randint(ks[5], (B, L), 0, REGION_VOCAB, dtype=jnp.int32)
    inp["locality_cluster"] = jax.random.randint(ks[6], (B, L), 0, REGION_VOCAB, dtype=jnp.int32)
    inp["entropy"] = jax.random.randint(ks[7], (B, L), 0, REGION_VOCAB, dtype=jnp.int32)
    inp["address_flags"] = jax.random.uniform(ks[8], (B, L, 5), dtype=jnp.float32)
    # learned parameters
    inp["E_ph"] = jax.random.normal(ks[9], (PAGE_VOCAB, 8), dtype=jnp.float32) * 0.02
    inp["E_off"] = jax.random.normal(ks[10], (REGION_VOCAB, 4), dtype=jnp.float32) * 0.02
    inp["E_cl"] = jax.random.normal(ks[11], (REGION_VOCAB, 4), dtype=jnp.float32) * 0.02
    inp["E_aa"] = jax.random.normal(ks[12], (REGION_VOCAB, 3), dtype=jnp.float32) * 0.02
    inp["E_str"] = jax.random.normal(ks[13], (REGION_VOCAB, 6), dtype=jnp.float32) * 0.02
    inp["E_rd"] = jax.random.normal(ks[14], (REGION_VOCAB, 5), dtype=jnp.float32) * 0.02
    inp["E_lc"] = jax.random.normal(ks[15], (REGION_VOCAB, 6), dtype=jnp.float32) * 0.02
    inp["E_ent"] = jax.random.normal(ks[16], (REGION_VOCAB, 3), dtype=jnp.float32) * 0.02
    inp["W_flags"] = jax.random.normal(ks[17], (5, 5), dtype=jnp.float32) * 0.5
    inp["b_flags"] = jnp.zeros((5,), dtype=jnp.float32)
    inp["W_gate"] = jax.random.normal(ks[18], (D_CAT, D_ADDR), dtype=jnp.float32) * (1.0 / np.sqrt(D_CAT))
    inp["b_gate"] = jnp.zeros((D_ADDR,), dtype=jnp.float32)
    inp["W_proj"] = jax.random.normal(ks[19], (D_CAT, D_ADDR), dtype=jnp.float32) * (1.0 / np.sqrt(D_CAT))
    inp["b_proj"] = jnp.zeros((D_ADDR,), dtype=jnp.float32)
    inp["gamma"] = jnp.ones((D_ADDR,), dtype=jnp.float32)
    inp["beta"] = jnp.zeros((D_ADDR,), dtype=jnp.float32)
    return inp


def _ternary_linear(x, W, b):
    # BitNet-style ternary quantization with straight-through estimator
    scale = jnp.mean(jnp.abs(W)) + 1e-8
    Wq = jnp.clip(jnp.round(W / scale), -1.0, 1.0) * scale
    Wq = W + jax.lax.stop_gradient(Wq - W)
    return x @ Wq.T + b


def reference(page_hash, offset, cache_line, addr_alignment, stride, reuse_dist,
              locality_cluster, entropy, address_flags,
              E_ph, E_off, E_cl, E_aa, E_str, E_rd, E_lc, E_ent,
              W_flags, b_flags, W_gate, b_gate, W_proj, b_proj, gamma, beta):
    e_ph = jnp.take(E_ph, page_hash, axis=0)
    e_off = jnp.take(E_off, offset, axis=0)
    e_cl = jnp.take(E_cl, cache_line, axis=0)
    e_aa = jnp.take(E_aa, addr_alignment, axis=0)
    e_str = jnp.take(E_str, stride, axis=0)
    e_rd = jnp.take(E_rd, reuse_dist, axis=0)
    e_lc = jnp.take(E_lc, locality_cluster, axis=0)
    e_ent = jnp.take(E_ent, entropy, axis=0)
    p_flags = _ternary_linear(address_flags, W_flags, b_flags)
    combined = jnp.concatenate([e_ph, e_off, e_cl, e_aa, e_str, e_rd, e_lc, e_ent, p_flags], axis=-1)
    gate = jax.nn.sigmoid(combined @ W_gate + b_gate)
    h = combined @ W_proj + b_proj
    z = gate * h
    mu = jnp.mean(z, axis=-1, keepdims=True)
    var = jnp.mean((z - mu) ** 2, axis=-1, keepdims=True)
    return (z - mu) / jnp.sqrt(var + 1e-5) * gamma + beta

if __name__ == "__main__":
    import jax
    _d = setup_inputs()
    print(jax.jit(kernel)(*tuple(_d.values())))

</pallas_src>

<mosaic_0001>
#map = affine_map<(d0, d1) -> (0)>
#map1 = affine_map<(d0, d1) -> (0, 0)>
module attributes {stable_mosaic.version = 14 : i64} {
  func.func @body(%arg0: i32, %arg1: i32, %arg2: memref<204800xi32, #tpu.memory_space<hbm>>, %arg3: memref<1433600xi32, #tpu.memory_space<hbm>>, %arg4: memref<1000000x8xf32, #tpu.memory_space<hbm>>, %arg5: memref<700000x8xf32, #tpu.memory_space<hbm>>, %arg6: memref<204800x8xf32, #tpu.memory_space<hbm>>, %arg7: memref<1433600x8xf32, #tpu.memory_space<hbm>>, %arg8: memref<640xi32, #tpu.memory_space<vmem>>, %arg9: memref<4480xi32, #tpu.memory_space<vmem>>, %arg10: memref<640x8xf32, #tpu.memory_space<vmem>>, %arg11: memref<4480x8xf32, #tpu.memory_space<vmem>>, %arg12: memref<640xi32, #tpu.memory_space<vmem>>, %arg13: memref<4480xi32, #tpu.memory_space<vmem>>, %arg14: memref<640x8xf32, #tpu.memory_space<vmem>>, %arg15: memref<4480x8xf32, #tpu.memory_space<vmem>>, %arg16: memref<!tpu.dma_semaphore, #tpu.memory_space<semaphore_mem>>, %arg17: memref<!tpu.dma_semaphore, #tpu.memory_space<semaphore_mem>>, %arg18: memref<!tpu.dma_semaphore, #tpu.memory_space<semaphore_mem>>, %arg19: memref<!tpu.dma_semaphore, #tpu.memory_space<semaphore_mem>>, %arg20: memref<!tpu.dma_semaphore, #tpu.memory_space<semaphore_mem>>, %arg21: memref<!tpu.dma_semaphore, #tpu.memory_space<semaphore_mem>>, %arg22: memref<!tpu.dma_semaphore, #tpu.memory_space<semaphore_mem>>, %arg23: memref<!tpu.dma_semaphore, #tpu.memory_space<semaphore_mem>>, %arg24: memref<!tpu.dma_semaphore, #tpu.memory_space<semaphore_mem>>, %arg25: memref<!tpu.dma_semaphore, #tpu.memory_space<semaphore_mem>>, %arg26: memref<!tpu.dma_semaphore, #tpu.memory_space<semaphore_mem>>, %arg27: memref<!tpu.dma_semaphore, #tpu.memory_space<semaphore_mem>>) attributes {dimension_semantics = [#tpu.dimension_semantics<core_parallel>, #tpu.dimension_semantics<subcore_parallel>], iteration_bounds = array<i64: 2, 16>, scalar_prefetch = 0 : i64, scratch_operands = 20 : i64, tpu.core_type = #tpu.core_type<sc_vector_subcore>, window_params = [{transform_indices = #map}, {transform_indices = #map}, {transform_indices = #map1}, {transform_indices = #map1}, {transform_indices = #map1}, {transform_indices = #map1}]} {
    %mul3A = arith.constant 2 : i32
    %mul3A_0 = arith.muli %arg1, %mul3A : i32
    %add3A = arith.addi %mul3A_0, %arg0 : i32
    %mul3A_1 = arith.constant 6400 : i32
    %mul3A_2 = arith.muli %add3A, %mul3A_1 : i32
    %add3A_3 = arith.constant 0 : i32
    %add3A_4 = arith.addi %mul3A_2, %add3A_3 : i32
    %dma_start3A = tpu.memref_slice %arg2[%add3A_4] : memref<204800xi32, #tpu.memory_space<hbm>> -> memref<640xi32, #tpu.memory_space<hbm>>
    %dma_start3A_5 = tpu.memref_slice %arg2[%add3A_4] : memref<204800xi32, #tpu.memory_space<hbm>> -> memref<640xi32, #tpu.memory_space<hbm>>
    tpu.enqueue_dma source(%dma_start3A_5 : memref<640xi32, #tpu.memory_space<hbm>>) target(%arg8 : memref<640xi32, #tpu.memory_space<vmem>>) target_semaphore(%arg16 : memref<!tpu.dma_semaphore, #tpu.memory_space<semaphore_mem>>)
    %mul3A_6 = arith.constant 7 : i32
    %mul3A_7 = arith.muli %add3A_4, %mul3A_6 : i32
    %dma_start3A_8 = tpu.memref_slice %arg3[%mul3A_7] : memref<1433600xi32, #tpu.memory_space<hbm>> -> memref<4480xi32, #tpu.memory_space<hbm>>
    %dma_start3A_9 = tpu.memref_slice %arg3[%mul3A_7] : memref<1433600xi32, #tpu.memory_space<hbm>> -> memref<4480xi32, #tpu.memory_space<hbm>>
    tpu.enqueue_dma source(%dma_start3A_9 : memref<4480xi32, #tpu.memory_space<hbm>>) target(%arg9 : memref<4480xi32, #tpu.memory_space<vmem>>) target_semaphore(%arg17 : memref<!tpu.dma_semaphore, #tpu.memory_space<semaphore_mem>>)
    %add3A_10 = arith.constant 640 : i32
    %add3A_11 = arith.addi %mul3A_2, %add3A_10 : i32
    %dma_start3A_12 = tpu.memref_slice %arg2[%add3A_11] : memref<204800xi32, #tpu.memory_space<hbm>> -> memref<640xi32, #tpu.memory_space<hbm>>
    %dma_start3A_13 = tpu.memref_slice %arg2[%add3A_11] : memref<204800xi32, #tpu.memory_space<hbm>> -> memref<640xi32, #tpu.memory_space<hbm>>
    tpu.enqueue_dma source(%dma_start3A_13 : memref<640xi32, #tpu.memory_space<hbm>>) target(%arg12 : memref<640xi32, #tpu.memory_space<vmem>>) target_semaphore(%arg22 : memref<!tpu.dma_semaphore, #tpu.memory_space<semaphore_mem>>)
    %mul3A_14 = arith.constant 7 : i32
    %mul3A_15 = arith.muli %add3A_11, %mul3A_14 : i32
    %dma_start3A_16 = tpu.memref_slice %arg3[%mul3A_15] : memref<1433600xi32, #tpu.memory_space<hbm>> -> memref<4480xi32, #tpu.memory_space<hbm>>
    %dma_start3A_17 = tpu.memref_slice %arg3[%mul3A_15] : memref<1433600xi32, #tpu.memory_space<hbm>> -> memref<4480xi32, #tpu.memory_space<hbm>>
    tpu.enqueue_dma source(%dma_start3A_17 : memref<4480xi32, #tpu.memory_space<hbm>>) target(%arg13 : memref<4480xi32, #tpu.memory_space<vmem>>) target_semaphore(%arg23 : memref<!tpu.dma_semaphore, #tpu.memory_space<semaphore_mem>>)
    %add3A_18 = arith.constant 0 : i32
    %add3A_19 = arith.addi %mul3A_2, %add3A_18 : i32
    %dma_wait3A = tpu.memref_slice %arg2[%add3A_4] : memref<204800xi32, #tpu.memory_space<hbm>> -> memref<640xi32, #tpu.memory_space<hbm>>
    %dma_wait3A_20 = tpu.memref_slice %arg2[%add3A_4] : memref<204800xi32, #tpu.memory_space<hbm>> -> memref<640xi32, #tpu.memory_space<hbm>>
    tpu.wait_dma2 semaphore(%arg16 : memref<!tpu.dma_semaphore, #tpu.memory_space<semaphore_mem>>) src(%dma_wait3A_20 : memref<640xi32, #tpu.memory_space<hbm>>) dst(%arg8 : memref<640xi32, #tpu.memory_space<vmem>>)
    %dma_wait3A_21 = tpu.memref_slice %arg3[%mul3A_7] : memref<1433600xi32, #tpu.memory_space<hbm>> -> memref<4480xi32, #tpu.memory_space<hbm>>
    %dma_wait3A_22 = tpu.memref_slice %arg3[%mul3A_7] : memref<1433600xi32, #tpu.memory_space<hbm>> -> memref<4480xi32, #tpu.memory_space<hbm>>
    tpu.wait_dma2 semaphore(%arg17 : memref<!tpu.dma_semaphore, #tpu.memory_space<semaphore_mem>>) src(%dma_wait3A_22 : memref<4480xi32, #tpu.memory_space<hbm>>) dst(%arg9 : memref<4480xi32, #tpu.memory_space<vmem>>)
    %dma_start3A_23 = arith.constant 0 : i32
    %dma_start3A_24 = arith.constant 0 : i32
    %dma_start3A_25 = tpu.memref_slice %arg4[%dma_start3A_23, %dma_start3A_24] : memref<1000000x8xf32, #tpu.memory_space<hbm>> -> memref<1000000x8xf32, #tpu.memory_space<hbm>>
    tpu.enqueue_indirect_dma source(%dma_start3A_25 : memref<1000000x8xf32, #tpu.memory_space<hbm>>) target(%arg10 : memref<640x8xf32, #tpu.memory_space<vmem>>) offsets(%arg8 : memref<640xi32, #tpu.memory_space<vmem>>) semaphore(%arg18 : memref<!tpu.dma_semaphore, #tpu.memory_space<semaphore_mem>>)
    %dma_start3A_26 = arith.constant 0 : i32
    %dma_start3A_27 = arith.constant 0 : i32
    %dma_start3A_28 = tpu.memref_slice %arg5[%dma_start3A_26, %dma_start3A_27] : memref<700000x8xf32, #tpu.memory_space<hbm>> -> memref<700000x8xf32, #tpu.memory_space<hbm>>
    tpu.enqueue_indirect_dma source(%dma_start3A_28 : memref<700000x8xf32, #tpu.memory_space<hbm>>) target(%arg11 : memref<4480x8xf32, #tpu.memory_space<vmem>>) offsets(%arg9 : memref<4480xi32, #tpu.memory_space<vmem>>) semaphore(%arg19 : memref<!tpu.dma_semaphore, #tpu.memory_space<semaphore_mem>>)
    %dma_wait3A_29 = arith.constant 0 : i32
    %dma_wait3A_30 = arith.constant 0 : i32
    %dma_wait3A_31 = tpu.memref_slice %arg4[%dma_wait3A_29, %dma_wait3A_30] : memref<1000000x8xf32, #tpu.memory_space<hbm>> -> memref<1000000x8xf32, #tpu.memory_space<hbm>>
    tpu.wait_indirect_dma semaphore(%arg18 : memref<!tpu.dma_semaphore, #tpu.memory_space<semaphore_mem>>) src(%dma_wait3A_31 : memref<1000000x8xf32, #tpu.memory_space<hbm>>) dst(%arg10 : memref<640x8xf32, #tpu.memory_space<vmem>>)
    %dma_wait3A_32 = arith.constant 0 : i32
    %dma_wait3A_33 = arith.constant 0 : i32
    %dma_wait3A_34 = tpu.memref_slice %arg5[%dma_wait3A_32, %dma_wait3A_33] : memref<700000x8xf32, #tpu.memory_space<hbm>> -> memref<700000x8xf32, #tpu.memory_space<hbm>>
    tpu.wait_indirect_dma semaphore(%arg19 : memref<!tpu.dma_semaphore, #tpu.memory_space<semaphore_mem>>) src(%dma_wait3A_34 : memref<700000x8xf32, #tpu.memory_space<hbm>>) dst(%arg11 : memref<4480x8xf32, #tpu.memory_space<vmem>>)
    %add3A_35 = arith.constant 1280 : i32
    %add3A_36 = arith.addi %mul3A_2, %add3A_35 : i32
    %dma_start3A_37 = tpu.memref_slice %arg2[%add3A_36] : memref<204800xi32, #tpu.memory_space<hbm>> -> memref<640xi32, #tpu.memory_space<hbm>>
    %dma_start3A_38 = tpu.memref_slice %arg2[%add3A_36] : memref<204800xi32, #tpu.memory_space<hbm>> -> memref<640xi32, #tpu.memory_space<hbm>>
    tpu.enqueue_dma source(%dma_start3A_38 : memref<640xi32, #tpu.memory_space<hbm>>) target(%arg8 : memref<640xi32, #tpu.memory_space<vmem>>) target_semaphore(%arg16 : memref<!tpu.dma_semaphore, #tpu.memory_space<semaphore_mem>>)
    %mul3A_39 = arith.constant 7 : i32
    %mul3A_40 = arith.muli %add3A_36, %mul3A_39 : i32
    %dma_start3A_41 = tpu.memref_slice %arg3[%mul3A_40] : memref<1433600xi32, #tpu.memory_space<hbm>> -> memref<4480xi32, #tpu.memory_space<hbm>>
    %dma_start3A_42 = tpu.memref_slice %arg3[%mul3A_40] : memref<1433600xi32, #tpu.memory_space<hbm>> -> memref<4480xi32, #tpu.memory_space<hbm>>
    tpu.enqueue_dma source(%dma_start3A_42 : memref<4480xi32, #tpu.memory_space<hbm>>) target(%arg9 : memref<4480xi32, #tpu.memory_space<vmem>>) target_semaphore(%arg17 : memref<!tpu.dma_semaphore, #tpu.memory_space<semaphore_mem>>)
    %dma_start3A_43 = arith.constant 0 : i32
    %dma_start3A_44 = tpu.memref_slice %arg6[%add3A_19, %dma_start3A_43] : memref<204800x8xf32, #tpu.memory_space<hbm>> -> memref<640x8xf32, #tpu.memory_space<hbm>>
    %dma_start3A_45 = arith.constant 0 : i32
    %dma_start3A_46 = tpu.memref_slice %arg6[%add3A_19, %dma_start3A_45] : memref<204800x8xf32, #tpu.memory_space<hbm>> -> memref<640x8xf32, #tpu.memory_space<hbm>>
    tpu.enqueue_dma source(%arg10 : memref<640x8xf32, #tpu.memory_space<vmem>>) target(%dma_start3A_46 : memref<640x8xf32, #tpu.memory_space<hbm>>) target_semaphore(%arg20 : memref<!tpu.dma_semaphore, #tpu.memory_space<semaphore_mem>>)
    %mul3A_47 = arith.constant 7 : i32
    %mul3A_48 = arith.muli %add3A_19, %mul3A_47 : i32
    %dma_start3A_49 = arith.constant 0 : i32
    %dma_start3A_50 = tpu.memref_slice %arg7[%mul3A_48, %dma_start3A_49] : memref<1433600x8xf32, #tpu.memory_space<hbm>> -> memref<4480x8xf32, #tpu.memory_space<hbm>>
    %dma_start3A_51 = arith.constant 0 : i32
    %dma_start3A_52 = tpu.memref_slice %arg7[%mul3A_48, %dma_start3A_51] : memref<1433600x8xf32, #tpu.memory_space<hbm>> -> memref<4480x8xf32, #tpu.memory_space<hbm>>
    tpu.enqueue_dma source(%arg11 : memref<4480x8xf32, #tpu.memory_space<vmem>>) target(%dma_start3A_52 : memref<4480x8xf32, #tpu.memory_space<hbm>>) target_semaphore(%arg21 : memref<!tpu.dma_semaphore, #tpu.memory_space<semaphore_mem>>)
    %add3A_53 = arith.constant 640 : i32
    %add3A_54 = arith.addi %mul3A_2, %add3A_53 : i32
    %dma_wait3A_55 = tpu.memref_slice %arg2[%add3A_11] : memref<204800xi32, #tpu.memory_space<hbm>> -> memref<640xi32, #tpu.memory_space<hbm>>
    %dma_wait3A_56 = tpu.memref_slice %arg2[%add3A_11] : memref<204800xi32, #tpu.memory_space<hbm>> -> memref<640xi32, #tpu.memory_space<hbm>>
    tpu.wait_dma2 semaphore(%arg22 : memref<!tpu.dma_semaphore, #tpu.memory_space<semaphore_mem>>) src(%dma_wait3A_56 : memref<640xi32, #tpu.memory_space<hbm>>) dst(%arg12 : memref<640xi32, #tpu.memory_space<vmem>>)
    %dma_wait3A_57 = tpu.memref_slice %arg3[%mul3A_15] : memref<1433600xi32, #tpu.memory_space<hbm>> -> memref<4480xi32, #tpu.memory_space<hbm>>
    %dma_wait3A_58 = tpu.memref_slice %arg3[%mul3A_15] : memref<1433600xi32, #tpu.memory_space<hbm>> -> memref<4480xi32, #tpu.memory_space<hbm>>
    tpu.wait_dma2 semaphore(%arg23 : memref<!tpu.dma_semaphore, #tpu.memory_space<semaphore_mem>>) src(%dma_wait3A_58 : memref<4480xi32, #tpu.memory_space<hbm>>) dst(%arg13 : memref<4480xi32, #tpu.memory_space<vmem>>)
    %dma_start3A_59 = arith.constant 0 : i32
    %dma_start3A_60 = arith.constant 0 : i32
    %dma_start3A_61 = tpu.memref_slice %arg4[%dma_start3A_59, %dma_start3A_60] : memref<1000000x8xf32, #tpu.memory_space<hbm>> -> memref<1000000x8xf32, #tpu.memory_space<hbm>>
    tpu.enqueue_indirect_dma source(%dma_start3A_61 : memref<1000000x8xf32, #tpu.memory_space<hbm>>) target(%arg14 : memref<640x8xf32, #tpu.memory_space<vmem>>) offsets(%arg12 : memref<640xi32, #tpu.memory_space<vmem>>) semaphore(%arg24 : memref<!tpu.dma_semaphore, #tpu.memory_space<semaphore_mem>>)
    %dma_start3A_62 = arith.constant 0 : i32
    %dma_start3A_63 = arith.constant 0 : i32
    %dma_start3A_64 = tpu.memref_slice %arg5[%dma_start3A_62, %dma_start3A_63] : memref<700000x8xf32, #tpu.memory_space<hbm>> -> memref<700000x8xf32, #tpu.memory_space<hbm>>
    tpu.enqueue_indirect_dma source(%dma_start3A_64 : memref<700000x8xf32, #tpu.memory_space<hbm>>) target(%arg15 : memref<4480x8xf32, #tpu.memory_space<vmem>>) offsets(%arg13 : memref<4480xi32, #tpu.memory_space<vmem>>) semaphore(%arg25 : memref<!tpu.dma_semaphore, #tpu.memory_space<semaphore_mem>>)
    %dma_wait3A_65 = arith.constant 0 : i32
    %dma_wait3A_66 = arith.constant 0 : i32
    %dma_wait3A_67 = tpu.memref_slice %arg4[%dma_wait3A_65, %dma_wait3A_66] : memref<1000000x8xf32, #tpu.memory_space<hbm>> -> memref<1000000x8xf32, #tpu.memory_space<hbm>>
    tpu.wait_indirect_dma semaphore(%arg24 : memref<!tpu.dma_semaphore, #tpu.memory_space<semaphore_mem>>) src(%dma_wait3A_67 : memref<1000000x8xf32, #tpu.memory_space<hbm>>) dst(%arg14 : memref<640x8xf32, #tpu.memory_space<vmem>>)
    %dma_wait3A_68 = arith.constant 0 : i32
    %dma_wait3A_69 = arith.constant 0 : i32
    %dma_wait3A_70 = tpu.memref_slice %arg5[%dma_wait3A_68, %dma_wait3A_69] : memref<700000x8xf32, #tpu.memory_space<hbm>> -> memref<700000x8xf32, #tpu.memory_space<hbm>>
    tpu.wait_indirect_dma semaphore(%arg25 : memref<!tpu.dma_semaphore, #tpu.memory_space<semaphore_mem>>) src(%dma_wait3A_70 : memref<700000x8xf32, #tpu.memory_space<hbm>>) dst(%arg15 : memref<4480x8xf32, #tpu.memory_space<vmem>>)
    %add3A_71 = arith.constant 1920 : i32
    %add3A_72 = arith.addi %mul3A_2, %add3A_71 : i32
    %dma_start3A_73 = tpu.memref_slice %arg2[%add3A_72] : memref<204800xi32, #tpu.memory_space<hbm>> -> memref<640xi32, #tpu.memory_space<hbm>>
    %dma_start3A_74 = tpu.memref_slice %arg2[%add3A_72] : memref<204800xi32, #tpu.memory_space<hbm>> -> memref<640xi32, #tpu.memory_space<hbm>>
    tpu.enqueue_dma source(%dma_start3A_74 : memref<640xi32, #tpu.memory_space<hbm>>) target(%arg12 : memref<640xi32, #tpu.memory_space<vmem>>) target_semaphore(%arg22 : memref<!tpu.dma_semaphore, #tpu.memory_space<semaphore_mem>>)
    %mul3A_75 = arith.constant 7 : i32
    %mul3A_76 = arith.muli %add3A_72, %mul3A_75 : i32
    %dma_start3A_77 = tpu.memref_slice %arg3[%mul3A_76] : memref<1433600xi32, #tpu.memory_space<hbm>> -> memref<4480xi32, #tpu.memory_space<hbm>>
    %dma_start3A_78 = tpu.memref_slice %arg3[%mul3A_76] : memref<1433600xi32, #tpu.memory_space<hbm>> -> memref<4480xi32, #tpu.memory_space<hbm>>
    tpu.enqueue_dma source(%dma_start3A_78 : memref<4480xi32, #tpu.memory_space<hbm>>) target(%arg13 : memref<4480xi32, #tpu.memory_space<vmem>>) target_semaphore(%arg23 : memref<!tpu.dma_semaphore, #tpu.memory_space<semaphore_mem>>)
    %dma_start3A_79 = arith.constant 0 : i32
    %dma_start3A_80 = tpu.memref_slice %arg6[%add3A_54, %dma_start3A_79] : memref<204800x8xf32, #tpu.memory_space<hbm>> -> memref<640x8xf32, #tpu.memory_space<hbm>>
    %dma_start3A_81 = arith.constant 0 : i32
    %dma_start3A_82 = tpu.memref_slice %arg6[%add3A_54, %dma_start3A_81] : memref<204800x8xf32, #tpu.memory_space<hbm>> -> memref<640x8xf32, #tpu.memory_space<hbm>>
    tpu.enqueue_dma source(%arg14 : memref<640x8xf32, #tpu.memory_space<vmem>>) target(%dma_start3A_82 : memref<640x8xf32, #tpu.memory_space<hbm>>) target_semaphore(%arg26 : memref<!tpu.dma_semaphore, #tpu.memory_space<semaphore_mem>>)
    %mul3A_83 = arith.constant 7 : i32
    %mul3A_84 = arith.muli %add3A_54, %mul3A_83 : i32
    %dma_start3A_85 = arith.constant 0 : i32
    %dma_start3A_86 = tpu.memref_slice %arg7[%mul3A_84, %dma_start3A_85] : memref<1433600x8xf32, #tpu.memory_space<hbm>> -> memref<4480x8xf32, #tpu.memory_space<hbm>>
    %dma_start3A_87 = arith.constant 0 : i32
    %dma_start3A_88 = tpu.memref_slice %arg7[%mul3A_84, %dma_start3A_87] : memref<1433600x8xf32, #tpu.memory_space<hbm>> -> memref<4480x8xf32, #tpu.memory_space<hbm>>
    tpu.enqueue_dma source(%arg15 : memref<4480x8xf32, #tpu.memory_space<vmem>>) target(%dma_start3A_88 : memref<4480x8xf32, #tpu.memory_space<hbm>>) target_semaphore(%arg27 : memref<!tpu.dma_semaphore, #tpu.memory_space<semaphore_mem>>)
    %add3A_89 = arith.constant 1280 : i32
    %add3A_90 = arith.addi %mul3A_2, %add3A_89 : i32
    %dma_wait3A_91 = tpu.memref_slice %arg2[%add3A_36] : memref<204800xi32, #tpu.memory_space<hbm>> -> memref<640xi32, #tpu.memory_space<hbm>>
    %dma_wait3A_92 = tpu.memref_slice %arg2[%add3A_36] : memref<204800xi32, #tpu.memory_space<hbm>> -> memref<640xi32, #tpu.memory_space<hbm>>
    tpu.wait_dma2 semaphore(%arg16 : memref<!tpu.dma_semaphore, #tpu.memory_space<semaphore_mem>>) src(%dma_wait3A_92 : memref<640xi32, #tpu.memory_space<hbm>>) dst(%arg8 : memref<640xi32, #tpu.memory_space<vmem>>)
    %dma_wait3A_93 = tpu.memref_slice %arg3[%mul3A_40] : memref<1433600xi32, #tpu.memory_space<hbm>> -> memref<4480xi32, #tpu.memory_space<hbm>>
    %dma_wait3A_94 = tpu.memref_slice %arg3[%mul3A_40] : memref<1433600xi32, #tpu.memory_space<hbm>> -> memref<4480xi32, #tpu.memory_space<hbm>>
    tpu.wait_dma2 semaphore(%arg17 : memref<!tpu.dma_semaphore, #tpu.memory_space<semaphore_mem>>) src(%dma_wait3A_94 : memref<4480xi32, #tpu.memory_space<hbm>>) dst(%arg9 : memref<4480xi32, #tpu.memory_space<vmem>>)
    %dma_wait3A_95 = arith.constant 0 : i32
    %dma_wait3A_96 = tpu.memref_slice %arg6[%add3A_19, %dma_wait3A_95] : memref<204800x8xf32, #tpu.memory_space<hbm>> -> memref<640x8xf32, #tpu.memory_space<hbm>>
    %dma_wait3A_97 = arith.constant 0 : i32
    %dma_wait3A_98 = tpu.memref_slice %arg6[%add3A_19, %dma_wait3A_97] : memref<204800x8xf32, #tpu.memory_space<hbm>> -> memref<640x8xf32, #tpu.memory_space<hbm>>
    tpu.wait_dma2 semaphore(%arg20 : memref<!tpu.dma_semaphore, #tpu.memory_space<semaphore_mem>>) src(%arg10 : memref<640x8xf32, #tpu.memory_space<vmem>>) dst(%dma_wait3A_98 : memref<640x8xf32, #tpu.memory_space<hbm>>)
    %dma_wait3A_99 = arith.constant 0 : i32
    %dma_wait3A_100 = tpu.memref_slice %arg7[%mul3A_48, %dma_wait3A_99] : memref<1433600x8xf32, #tpu.memory_space<hbm>> -> memref<4480x8xf32, #tpu.memory_space<hbm>>
    %dma_wait3A_101 = arith.constant 0 : i32
    %dma_wait3A_102 = tpu.memref_slice %arg7[%mul3A_48, %dma_wait3A_101] : memref<1433600x8xf32, #tpu.memory_space<hbm>> -> memref<4480x8xf32, #tpu.memory_space<hbm>>
    tpu.wait_dma2 semaphore(%arg21 : memref<!tpu.dma_semaphore, #tpu.memory_space<semaphore_mem>>) src(%arg11 : memref<4480x8xf32, #tpu.memory_space<vmem>>) dst(%dma_wait3A_102 : memref<4480x8xf32, #tpu.memory_space<hbm>>)
    %dma_start3A_103 = arith.constant 0 : i32
    %dma_start3A_104 = arith.constant 0 : i32
    %dma_start3A_105 = tpu.memref_slice %arg4[%dma_start3A_103, %dma_start3A_104] : memref<1000000x8xf32, #tpu.memory_space<hbm>> -> memref<1000000x8xf32, #tpu.memory_space<hbm>>
    tpu.enqueue_indirect_dma source(%dma_start3A_105 : memref<1000000x8xf32, #tpu.memory_space<hbm>>) target(%arg10 : memref<640x8xf32, #tpu.memory_space<vmem>>) offsets(%arg8 : memref<640xi32, #tpu.memory_space<vmem>>) semaphore(%arg18 : memref<!tpu.dma_semaphore, #tpu.memory_space<semaphore_mem>>)
    %dma_start3A_106 = arith.constant 0 : i32
    %dma_start3A_107 = arith.constant 0 : i32
    %dma_start3A_108 = tpu.memref_slice %arg5[%dma_start3A_106, %dma_start3A_107] : memref<700000x8xf32, #tpu.memory_space<hbm>> -> memref<700000x8xf32, #tpu.memory_space<hbm>>
    tpu.enqueue_indirect_dma source(%dma_start3A_108 : memref<700000x8xf32, #tpu.memory_space<hbm>>) target(%arg11 : memref<4480x8xf32, #tpu.memory_space<vmem>>) offsets(%arg9 : memref<4480xi32, #tpu.memory_space<vmem>>) semaphore(%arg19 : memref<!tpu.dma_semaphore, #tpu.memory_space<semaphore_mem>>)
    %dma_wait3A_109 = arith.constant 0 : i32
    %dma_wait3A_110 = arith.constant 0 : i32
    %dma_wait3A_111 = tpu.memref_slice %arg4[%dma_wait3A_109, %dma_wait3A_110] : memref<1000000x8xf32, #tpu.memory_space<hbm>> -> memref<1000000x8xf32, #tpu.memory_space<hbm>>
    tpu.wait_indirect_dma semaphore(%arg18 : memref<!tpu.dma_semaphore, #tpu.memory_space<semaphore_mem>>) src(%dma_wait3A_111 : memref<1000000x8xf32, #tpu.memory_space<hbm>>) dst(%arg10 : memref<640x8xf32, #tpu.memory_space<vmem>>)
    %dma_wait3A_112 = arith.constant 0 : i32
    %dma_wait3A_113 = arith.constant 0 : i32
    %dma_wait3A_114 = tpu.memref_slice %arg5[%dma_wait3A_112, %dma_wait3A_113] : memref<700000x8xf32, #tpu.memory_space<hbm>> -> memref<700000x8xf32, #tpu.memory_space<hbm>>
    tpu.wait_indirect_dma semaphore(%arg19 : memref<!tpu.dma_semaphore, #tpu.memory_space<semaphore_mem>>) src(%dma_wait3A_114 : memref<700000x8xf32, #tpu.memory_space<hbm>>) dst(%arg11 : memref<4480x8xf32, #tpu.memory_space<vmem>>)
    %add3A_115 = arith.constant 2560 : i32
    %add3A_116 = arith.addi %mul3A_2, %add3A_115 : i32
    %dma_start3A_117 = tpu.memref_slice %arg2[%add3A_116] : memref<204800xi32, #tpu.memory_space<hbm>> -> memref<640xi32, #tpu.memory_space<hbm>>
    %dma_start3A_118 = tpu.memref_slice %arg2[%add3A_116] : memref<204800xi32, #tpu.memory_space<hbm>> -> memref<640xi32, #tpu.memory_space<hbm>>
    tpu.enqueue_dma source(%dma_start3A_118 : memref<640xi32, #tpu.memory_space<hbm>>) target(%arg8 : memref<640xi32, #tpu.memory_space<vmem>>) target_semaphore(%arg16 : memref<!tpu.dma_semaphore, #tpu.memory_space<semaphore_mem>>)
    %mul3A_119 = arith.constant 7 : i32
    %mul3A_120 = arith.muli %add3A_116, %mul3A_119 : i32
    %dma_start3A_121 = tpu.memref_slice %arg3[%mul3A_120] : memref<1433600xi32, #tpu.memory_space<hbm>> -> memref<4480xi32, #tpu.memory_space<hbm>>
    %dma_start3A_122 = tpu.memref_slice %arg3[%mul3A_120] : memref<1433600xi32, #tpu.memory_space<hbm>> -> memref<4480xi32, #tpu.memory_space<hbm>>
    tpu.enqueue_dma source(%dma_start3A_122 : memref<4480xi32, #tpu.memory_space<hbm>>) target(%arg9 : memref<4480xi32, #tpu.memory_space<vmem>>) target_semaphore(%arg17 : memref<!tpu.dma_semaphore, #tpu.memory_space<semaphore_mem>>)
    %dma_start3A_123 = arith.constant 0 : i32
    %dma_start3A_124 = tpu.memref_slice %arg6[%add3A_90, %dma_start3A_123] : memref<204800x8xf32, #tpu.memory_space<hbm>> -> memref<640x8xf32, #tpu.memory_space<hbm>>
    %dma_start3A_125 = arith.constant 0 : i32
    %dma_start3A_126 = tpu.memref_slice %arg6[%add3A_90, %dma_start3A_125] : memref<204800x8xf32, #tpu.memory_space<hbm>> -> memref<640x8xf32, #tpu.memory_space<hbm>>
    tpu.enqueue_dma source(%arg10 : memref<640x8xf32, #tpu.memory_space<vmem>>) target(%dma_start3A_126 : memref<640x8xf32, #tpu.memory_space<hbm>>) target_semaphore(%arg20 : memref<!tpu.dma_semaphore, #tpu.memory_space<semaphore_mem>>)
    %mul3A_127 = arith.constant 7 : i32
    %mul3A_128 = arith.muli %add3A_90, %mul3A_127 : i32
    %dma_start3A_129 = arith.constant 0 : i32
    %dma_start3A_130 = tpu.memref_slice %arg7[%mul3A_128, %dma_start3A_129] : memref<1433600x8xf32, #tpu.memory_space<hbm>> -> memref<4480x8xf32, #tpu.memory_space<hbm>>
    %dma_start3A_131 = arith.constant 0 : i32
    %dma_start3A_132 = tpu.memref_slice %arg7[%mul3A_128, %dma_start3A_131] : memref<1433600x8xf32, #tpu.memory_space<hbm>> -> memref<4480x8xf32, #tpu.memory_space<hbm>>
    tpu.enqueue_dma source(%arg11 : memref<4480x8xf32, #tpu.memory_space<vmem>>) target(%dma_start3A_132 : memref<4480x8xf32, #tpu.memory_space<hbm>>) target_semaphore(%arg21 : memref<!tpu.dma_semaphore, #tpu.memory_space<semaphore_mem>>)
    %add3A_133 = arith.constant 1920 : i32
    %add3A_134 = arith.addi %mul3A_2, %add3A_133 : i32
    %dma_wait3A_135 = tpu.memref_slice %arg2[%add3A_72] : memref<204800xi32, #tpu.memory_space<hbm>> -> memref<640xi32, #tpu.memory_space<hbm>>
    %dma_wait3A_136 = tpu.memref_slice %arg2[%add3A_72] : memref<204800xi32, #tpu.memory_space<hbm>> -> memref<640xi32, #tpu.memory_space<hbm>>
    tpu.wait_dma2 semaphore(%arg22 : memref<!tpu.dma_semaphore, #tpu.memory_space<semaphore_mem>>) src(%dma_wait3A_136 : memref<640xi32, #tpu.memory_space<hbm>>) dst(%arg12 : memref<640xi32, #tpu.memory_space<vmem>>)
    %dma_wait3A_137 = tpu.memref_slice %arg3[%mul3A_76] : memref<1433600xi32, #tpu.memory_space<hbm>> -> memref<4480xi32, #tpu.memory_space<hbm>>
    %dma_wait3A_138 = tpu.memref_slice %arg3[%mul3A_76] : memref<1433600xi32, #tpu.memory_space<hbm>> -> memref<4480xi32, #tpu.memory_space<hbm>>
    tpu.wait_dma2 semaphore(%arg23 : memref<!tpu.dma_semaphore, #tpu.memory_space<semaphore_mem>>) src(%dma_wait3A_138 : memref<4480xi32, #tpu.memory_space<hbm>>) dst(%arg13 : memref<4480xi32, #tpu.memory_space<vmem>>)
    %dma_wait3A_139 = arith.constant 0 : i32
    %dma_wait3A_140 = tpu.memref_slice %arg6[%add3A_54, %dma_wait3A_139] : memref<204800x8xf32, #tpu.memory_space<hbm>> -> memref<640x8xf32, #tpu.memory_space<hbm>>
    %dma_wait3A_141 = arith.constant 0 : i32
    %dma_wait3A_142 = tpu.memref_slice %arg6[%add3A_54, %dma_wait3A_141] : memref<204800x8xf32, #tpu.memory_space<hbm>> -> memref<640x8xf32, #tpu.memory_space<hbm>>
    tpu.wait_dma2 semaphore(%arg26 : memref<!tpu.dma_semaphore, #tpu.memory_space<semaphore_mem>>) src(%arg14 : memref<640x8xf32, #tpu.memory_space<vmem>>) dst(%dma_wait3A_142 : memref<640x8xf32, #tpu.memory_space<hbm>>)
    %dma_wait3A_143 = arith.constant 0 : i32
    %dma_wait3A_144 = tpu.memref_slice %arg7[%mul3A_84, %dma_wait3A_143] : memref<1433600x8xf32, #tpu.memory_space<hbm>> -> memref<4480x8xf32, #tpu.memory_space<hbm>>
    %dma_wait3A_145 = arith.constant 0 : i32
    %dma_wait3A_146 = tpu.memref_slice %arg7[%mul3A_84, %dma_wait3A_145] : memref<1433600x8xf32, #tpu.memory_space<hbm>> -> memref<4480x8xf32, #tpu.memory_space<hbm>>
    tpu.wait_dma2 semaphore(%arg27 : memref<!tpu.dma_semaphore, #tpu.memory_space<semaphore_mem>>) src(%arg15 : memref<4480x8xf32, #tpu.memory_space<vmem>>) dst(%dma_wait3A_146 : memref<4480x8xf32, #tpu.memory_space<hbm>>)
    %dma_start3A_147 = arith.constant 0 : i32
    %dma_start3A_148 = arith.constant 0 : i32
    %dma_start3A_149 = tpu.memref_slice %arg4[%dma_start3A_147, %dma_start3A_148] : memref<1000000x8xf32, #tpu.memory_space<hbm>> -> memref<1000000x8xf32, #tpu.memory_space<hbm>>
    tpu.enqueue_indirect_dma source(%dma_start3A_149 : memref<1000000x8xf32, #tpu.memory_space<hbm>>) target(%arg14 : memref<640x8xf32, #tpu.memory_space<vmem>>) offsets(%arg12 : memref<640xi32, #tpu.memory_space<vmem>>) semaphore(%arg24 : memref<!tpu.dma_semaphore, #tpu.memory_space<semaphore_mem>>)
    %dma_start3A_150 = arith.constant 0 : i32
    %dma_start3A_151 = arith.constant 0 : i32
    %dma_start3A_152 = tpu.memref_slice %arg5[%dma_start3A_150, %dma_start3A_151] : memref<700000x8xf32, #tpu.memory_space<hbm>> -> memref<700000x8xf32, #tpu.memory_space<hbm>>
    tpu.enqueue_indirect_dma source(%dma_start3A_152 : memref<700000x8xf32, #tpu.memory_space<hbm>>) target(%arg15 : memref<4480x8xf32, #tpu.memory_space<vmem>>) offsets(%arg13 : memref<4480xi32, #tpu.memory_space<vmem>>) semaphore(%arg25 : memref<!tpu.dma_semaphore, #tpu.memory_space<semaphore_mem>>)
    %dma_wait3A_153 = arith.constant 0 : i32
    %dma_wait3A_154 = arith.constant 0 : i32
    %dma_wait3A_155 = tpu.memref_slice %arg4[%dma_wait3A_153, %dma_wait3A_154] : memref<1000000x8xf32, #tpu.memory_space<hbm>> -> memref<1000000x8xf32, #tpu.memory_space<hbm>>
    tpu.wait_indirect_dma semaphore(%arg24 : memref<!tpu.dma_semaphore, #tpu.memory_space<semaphore_mem>>) src(%dma_wait3A_155 : memref<1000000x8xf32, #tpu.memory_space<hbm>>) dst(%arg14 : memref<640x8xf32, #tpu.memory_space<vmem>>)
    %dma_wait3A_156 = arith.constant 0 : i32
    %dma_wait3A_157 = arith.constant 0 : i32
    %dma_wait3A_158 = tpu.memref_slice %arg5[%dma_wait3A_156, %dma_wait3A_157] : memref<700000x8xf32, #tpu.memory_space<hbm>> -> memref<700000x8xf32, #tpu.memory_space<hbm>>
    tpu.wait_indirect_dma semaphore(%arg25 : memref<!tpu.dma_semaphore, #tpu.memory_space<semaphore_mem>>) src(%dma_wait3A_158 : memref<700000x8xf32, #tpu.memory_space<hbm>>) dst(%arg15 : memref<4480x8xf32, #tpu.memory_space<vmem>>)
    %add3A_159 = arith.constant 3200 : i32
    %add3A_160 = arith.addi %mul3A_2, %add3A_159 : i32
    %dma_start3A_161 = tpu.memref_slice %arg2[%add3A_160] : memref<204800xi32, #tpu.memory_space<hbm>> -> memref<640xi32, #tpu.memory_space<hbm>>
    %dma_start3A_162 = tpu.memref_slice %arg2[%add3A_160] : memref<204800xi32, #tpu.memory_space<hbm>> -> memref<640xi32, #tpu.memory_space<hbm>>
    tpu.enqueue_dma source(%dma_start3A_162 : memref<640xi32, #tpu.memory_space<hbm>>) target(%arg12 : memref<640xi32, #tpu.memory_space<vmem>>) target_semaphore(%arg22 : memref<!tpu.dma_semaphore, #tpu.memory_space<semaphore_mem>>)
    %mul3A_163 = arith.constant 7 : i32
    %mul3A_164 = arith.muli %add3A_160, %mul3A_163 : i32
    %dma_start3A_165 = tpu.memref_slice %arg3[%mul3A_164] : memref<1433600xi32, #tpu.memory_space<hbm>> -> memref<4480xi32, #tpu.memory_space<hbm>>
    %dma_start3A_166 = tpu.memref_slice %arg3[%mul3A_164] : memref<1433600xi32, #tpu.memory_space<hbm>> -> memref<4480xi32, #tpu.memory_space<hbm>>
    tpu.enqueue_dma source(%dma_start3A_166 : memref<4480xi32, #tpu.memory_space<hbm>>) target(%arg13 : memref<4480xi32, #tpu.memory_space<vmem>>) target_semaphore(%arg23 : memref<!tpu.dma_semaphore, #tpu.memory_space<semaphore_mem>>)
    %dma_start3A_167 = arith.constant 0 : i32
    %dma_start3A_168 = tpu.memref_slice %arg6[%add3A_134, %dma_start3A_167] : memref<204800x8xf32, #tpu.memory_space<hbm>> -> memref<640x8xf32, #tpu.memory_space<hbm>>
    %dma_start3A_169 = arith.constant 0 : i32
    %dma_start3A_170 = tpu.memref_slice %arg6[%add3A_134, %dma_start3A_169] : memref<204800x8xf32, #tpu.memory_space<hbm>> -> memref<640x8xf32, #tpu.memory_space<hbm>>
    tpu.enqueue_dma source(%arg14 : memref<640x8xf32, #tpu.memory_space<vmem>>) target(%dma_start3A_170 : memref<640x8xf32, #tpu.memory_space<hbm>>) target_semaphore(%arg26 : memref<!tpu.dma_semaphore, #tpu.memory_space<semaphore_mem>>)
    %mul3A_171 = arith.constant 7 : i32
    %mul3A_172 = arith.muli %add3A_134, %mul3A_171 : i32
    %dma_start3A_173 = arith.constant 0 : i32
    %dma_start3A_174 = tpu.memref_slice %arg7[%mul3A_172, %dma_start3A_173] : memref<1433600x8xf32, #tpu.memory_space<hbm>> -> memref<4480x8xf32, #tpu.memory_space<hbm>>
    %dma_start3A_175 = arith.constant 0 : i32
    %dma_start3A_176 = tpu.memref_slice %arg7[%mul3A_172, %dma_start3A_175] : memref<1433600x8xf32, #tpu.memory_space<hbm>> -> memref<4480x8xf32, #tpu.memory_space<hbm>>
    tpu.enqueue_dma source(%arg15 : memref<4480x8xf32, #tpu.memory_space<vmem>>) target(%dma_start3A_176 : memref<4480x8xf32, #tpu.memory_space<hbm>>) target_semaphore(%arg27 : memref<!tpu.dma_semaphore, #tpu.memory_space<semaphore_mem>>)
    %add3A_177 = arith.constant 2560 : i32
    %add3A_178 = arith.addi %mul3A_2, %add3A_177 : i32
    %dma_wait3A_179 = tpu.memref_slice %arg2[%add3A_116] : memref<204800xi32, #tpu.memory_space<hbm>> -> memref<640xi32, #tpu.memory_space<hbm>>
    %dma_wait3A_180 = tpu.memref_slice %arg2[%add3A_116] : memref<204800xi32, #tpu.memory_space<hbm>> -> memref<640xi32, #tpu.memory_space<hbm>>
    tpu.wait_dma2 semaphore(%arg16 : memref<!tpu.dma_semaphore, #tpu.memory_space<semaphore_mem>>) src(%dma_wait3A_180 : memref<640xi32, #tpu.memory_space<hbm>>) dst(%arg8 : memref<640xi32, #tpu.memory_space<vmem>>)
    %dma_wait3A_181 = tpu.memref_slice %arg3[%mul3A_120] : memref<1433600xi32, #tpu.memory_space<hbm>> -> memref<4480xi32, #tpu.memory_space<hbm>>
    %dma_wait3A_182 = tpu.memref_slice %arg3[%mul3A_120] : memref<1433600xi32, #tpu.memory_space<hbm>> -> memref<4480xi32, #tpu.memory_space<hbm>>
    tpu.wait_dma2 semaphore(%arg17 : memref<!tpu.dma_semaphore, #tpu.memory_space<semaphore_mem>>) src(%dma_wait3A_182 : memref<4480xi32, #tpu.memory_space<hbm>>) dst(%arg9 : memref<4480xi32, #tpu.memory_space<vmem>>)
    %dma_wait3A_183 = arith.constant 0 : i32
    %dma_wait3A_184 = tpu.memref_slice %arg6[%add3A_90, %dma_wait3A_183] : memref<204800x8xf32, #tpu.memory_space<hbm>> -> memref<640x8xf32, #tpu.memory_space<hbm>>
    %dma_wait3A_185 = arith.constant 0 : i32
    %dma_wait3A_186 = tpu.memref_slice %arg6[%add3A_90, %dma_wait3A_185] : memref<204800x8xf32, #tpu.memory_space<hbm>> -> memref<640x8xf32, #tpu.memory_space<hbm>>
    tpu.wait_dma2 semaphore(%arg20 : memref<!tpu.dma_semaphore, #tpu.memory_space<semaphore_mem>>) src(%arg10 : memref<640x8xf32, #tpu.memory_space<vmem>>) dst(%dma_wait3A_186 : memref<640x8xf32, #tpu.memory_space<hbm>>)
    %dma_wait3A_187 = arith.constant 0 : i32
    %dma_wait3A_188 = tpu.memref_slice %arg7[%mul3A_128, %dma_wait3A_187] : memref<1433600x8xf32, #tpu.memory_space<hbm>> -> memref<4480x8xf32, #tpu.memory_space<hbm>>
    %dma_wait3A_189 = arith.constant 0 : i32
    %dma_wait3A_190 = tpu.memref_slice %arg7[%mul3A_128, %dma_wait3A_189] : memref<1433600x8xf32, #tpu.memory_space<hbm>> -> memref<4480x8xf32, #tpu.memory_space<hbm>>
    tpu.wait_dma2 semaphore(%arg21 : memref<!tpu.dma_semaphore, #tpu.memory_space<semaphore_mem>>) src(%arg11 : memref<4480x8xf32, #tpu.memory_space<vmem>>) dst(%dma_wait3A_190 : memref<4480x8xf32, #tpu.memory_space<hbm>>)
    %dma_start3A_191 = arith.constant 0 : i32
    %dma_start3A_192 = arith.constant 0 : i32
    %dma_start3A_193 = tpu.memref_slice %arg4[%dma_start3A_191, %dma_start3A_192] : memref<1000000x8xf32, #tpu.memory_space<hbm>> -> memref<1000000x8xf32, #tpu.memory_space<hbm>>
    tpu.enqueue_indirect_dma source(%dma_start3A_193 : memref<1000000x8xf32, #tpu.memory_space<hbm>>) target(%arg10 : memref<640x8xf32, #tpu.memory_space<vmem>>) offsets(%arg8 : memref<640xi32, #tpu.memory_space<vmem>>) semaphore(%arg18 : memref<!tpu.dma_semaphore, #tpu.memory_space<semaphore_mem>>)
    %dma_start3A_194 = arith.constant 0 : i32
    %dma_start3A_195 = arith.constant 0 : i32
    %dma_start3A_196 = tpu.memref_slice %arg5[%dma_start3A_194, %dma_start3A_195] : memref<700000x8xf32, #tpu.memory_space<hbm>> -> memref<700000x8xf32, #tpu.memory_space<hbm>>
    tpu.enqueue_indirect_dma source(%dma_start3A_196 : memref<700000x8xf32, #tpu.memory_space<hbm>>) target(%arg11 : memref<4480x8xf32, #tpu.memory_space<vmem>>) offsets(%arg9 : memref<4480xi32, #tpu.memory_space<vmem>>) semaphore(%arg19 : memref<!tpu.dma_semaphore, #tpu.memory_space<semaphore_mem>>)
    %dma_wait3A_197 = arith.constant 0 : i32
    %dma_wait3A_198 = arith.constant 0 : i32
    %dma_wait3A_199 = tpu.memref_slice %arg4[%dma_wait3A_197, %dma_wait3A_198] : memref<1000000x8xf32, #tpu.memory_space<hbm>> -> memref<1000000x8xf32, #tpu.memory_space<hbm>>
    tpu.wait_indirect_dma semaphore(%arg18 : memref<!tpu.dma_semaphore, #tpu.memory_space<semaphore_mem>>) src(%dma_wait3A_199 : memref<1000000x8xf32, #tpu.memory_space<hbm>>) dst(%arg10 : memref<640x8xf32, #tpu.memory_space<vmem>>)
    %dma_wait3A_200 = arith.constant 0 : i32
    %dma_wait3A_201 = arith.constant 0 : i32
    %dma_wait3A_202 = tpu.memref_slice %arg5[%dma_wait3A_200, %dma_wait3A_201] : memref<700000x8xf32, #tpu.memory_space<hbm>> -> memref<700000x8xf32, #tpu.memory_space<hbm>>
    tpu.wait_indirect_dma semaphore(%arg19 : memref<!tpu.dma_semaphore, #tpu.memory_space<semaphore_mem>>) src(%dma_wait3A_202 : memref<700000x8xf32, #tpu.memory_space<hbm>>) dst(%arg11 : memref<4480x8xf32, #tpu.memory_space<vmem>>)
    %add3A_203 = arith.constant 3840 : i32
    %add3A_204 = arith.addi %mul3A_2, %add3A_203 : i32
    %dma_start3A_205 = tpu.memref_slice %arg2[%add3A_204] : memref<204800xi32, #tpu.memory_space<hbm>> -> memref<640xi32, #tpu.memory_space<hbm>>
    %dma_start3A_206 = tpu.memref_slice %arg2[%add3A_204] : memref<204800xi32, #tpu.memory_space<hbm>> -> memref<640xi32, #tpu.memory_space<hbm>>
    tpu.enqueue_dma source(%dma_start3A_206 : memref<640xi32, #tpu.memory_space<hbm>>) target(%arg8 : memref<640xi32, #tpu.memory_space<vmem>>) target_semaphore(%arg16 : memref<!tpu.dma_semaphore, #tpu.memory_space<semaphore_mem>>)
    %mul3A_207 = arith.constant 7 : i32
    %mul3A_208 = arith.muli %add3A_204, %mul3A_207 : i32
    %dma_start3A_209 = tpu.memref_slice %arg3[%mul3A_208] : memref<1433600xi32, #tpu.memory_space<hbm>> -> memref<4480xi32, #tpu.memory_space<hbm>>
    %dma_start3A_210 = tpu.memref_slice %arg3[%mul3A_208] : memref<1433600xi32, #tpu.memory_space<hbm>> -> memref<4480xi32, #tpu.memory_space<hbm>>
    tpu.enqueue_dma source(%dma_start3A_210 : memref<4480xi32, #tpu.memory_space<hbm>>) target(%arg9 : memref<4480xi32, #tpu.memory_space<vmem>>) target_semaphore(%arg17 : memref<!tpu.dma_semaphore, #tpu.memory_space<semaphore_mem>>)
    %dma_start3A_211 = arith.constant 0 : i32
    %dma_start3A_212 = tpu.memref_slice %arg6[%add3A_178, %dma_start3A_211] : memref<204800x8xf32, #tpu.memory_space<hbm>> -> memref<640x8xf32, #tpu.memory_space<hbm>>
    %dma_start3A_213 = arith.constant 0 : i32
    %dma_start3A_214 = tpu.memref_slice %arg6[%add3A_178, %dma_start3A_213] : memref<204800x8xf32, #tpu.memory_space<hbm>> -> memref<640x8xf32, #tpu.memory_space<hbm>>
    tpu.enqueue_dma source(%arg10 : memref<640x8xf32, #tpu.memory_space<vmem>>) target(%dma_start3A_214 : memref<640x8xf32, #tpu.memory_space<hbm>>) target_semaphore(%arg20 : memref<!tpu.dma_semaphore, #tpu.memory_space<semaphore_mem>>)
    %mul3A_215 = arith.constant 7 : i32
    %mul3A_216 = arith.muli %add3A_178, %mul3A_215 : i32
    %dma_start3A_217 = arith.constant 0 : i32
    %dma_start3A_218 = tpu.memref_slice %arg7[%mul3A_216, %dma_start3A_217] : memref<1433600x8xf32, #tpu.memory_space<hbm>> -> memref<4480x8xf32, #tpu.memory_space<hbm>>
    %dma_start3A_219 = arith.constant 0 : i32
    %dma_start3A_220 = tpu.memref_slice %arg7[%mul3A_216, %dma_start3A_219] : memref<1433600x8xf32, #tpu.memory_space<hbm>> -> memref<4480x8xf32, #tpu.memory_space<hbm>>
    tpu.enqueue_dma source(%arg11 : memref<4480x8xf32, #tpu.memory_space<vmem>>) target(%dma_start3A_220 : memref<4480x8xf32, #tpu.memory_space<hbm>>) target_semaphore(%arg21 : memref<!tpu.dma_semaphore, #tpu.memory_space<semaphore_mem>>)
    %add3A_221 = arith.constant 3200 : i32
    %add3A_222 = arith.addi %mul3A_2, %add3A_221 : i32
    %dma_wait3A_223 = tpu.memref_slice %arg2[%add3A_160] : memref<204800xi32, #tpu.memory_space<hbm>> -> memref<640xi32, #tpu.memory_space<hbm>>
    %dma_wait3A_224 = tpu.memref_slice %arg2[%add3A_160] : memref<204800xi32, #tpu.memory_space<hbm>> -> memref<640xi32, #tpu.memory_space<hbm>>
    tpu.wait_dma2 semaphore(%arg22 : memref<!tpu.dma_semaphore, #tpu.memory_space<semaphore_mem>>) src(%dma_wait3A_224 : memref<640xi32, #tpu.memory_space<hbm>>) dst(%arg12 : memref<640xi32, #tpu.memory_space<vmem>>)
    %dma_wait3A_225 = tpu.memref_slice %arg3[%mul3A_164] : memref<1433600xi32, #tpu.memory_space<hbm>> -> memref<4480xi32, #tpu.memory_space<hbm>>
    %dma_wait3A_226 = tpu.memref_slice %arg3[%mul3A_164] : memref<1433600xi32, #tpu.memory_space<hbm>> -> memref<4480xi32, #tpu.memory_space<hbm>>
    tpu.wait_dma2 semaphore(%arg23 : memref<!tpu.dma_semaphore, #tpu.memory_space<semaphore_mem>>) src(%dma_wait3A_226 : memref<4480xi32, #tpu.memory_space<hbm>>) dst(%arg13 : memref<4480xi32, #tpu.memory_space<vmem>>)
    %dma_wait3A_227 = arith.constant 0 : i32
    %dma_wait3A_228 = tpu.memref_slice %arg6[%add3A_134, %dma_wait3A_227] : memref<204800x8xf32, #tpu.memory_space<hbm>> -> memref<640x8xf32, #tpu.memory_space<hbm>>
    %dma_wait3A_229 = arith.constant 0 : i32
    %dma_wait3A_230 = tpu.memref_slice %arg6[%add3A_134, %dma_wait3A_229] : memref<204800x8xf32, #tpu.memory_space<hbm>> -> memref<640x8xf32, #tpu.memory_space<hbm>>
    tpu.wait_dma2 semaphore(%arg26 : memref<!tpu.dma_semaphore, #tpu.memory_space<semaphore_mem>>) src(%arg14 : memref<640x8xf32, #tpu.memory_space<vmem>>) dst(%dma_wait3A_230 : memref<640x8xf32, #tpu.memory_space<hbm>>)
    %dma_wait3A_231 = arith.constant 0 : i32
    %dma_wait3A_232 = tpu.memref_slice %arg7[%mul3A_172, %dma_wait3A_231] : memref<1433600x8xf32, #tpu.memory_space<hbm>> -> memref<4480x8xf32, #tpu.memory_space<hbm>>
    %dma_wait3A_233 = arith.constant 0 : i32
    %dma_wait3A_234 = tpu.memref_slice %arg7[%mul3A_172, %dma_wait3A_233] : memref<1433600x8xf32, #tpu.memory_space<hbm>> -> memref<4480x8xf32, #tpu.memory_space<hbm>>
    tpu.wait_dma2 semaphore(%arg27 : memref<!tpu.dma_semaphore, #tpu.memory_space<semaphore_mem>>) src(%arg15 : memref<4480x8xf32, #tpu.memory_space<vmem>>) dst(%dma_wait3A_234 : memref<4480x8xf32, #tpu.memory_space<hbm>>)
    %dma_start3A_235 = arith.constant 0 : i32
    %dma_start3A_236 = arith.constant 0 : i32
    %dma_start3A_237 = tpu.memref_slice %arg4[%dma_start3A_235, %dma_start3A_236] : memref<1000000x8xf32, #tpu.memory_space<hbm>> -> memref<1000000x8xf32, #tpu.memory_space<hbm>>
    tpu.enqueue_indirect_dma source(%dma_start3A_237 : memref<1000000x8xf32, #tpu.memory_space<hbm>>) target(%arg14 : memref<640x8xf32, #tpu.memory_space<vmem>>) offsets(%arg12 : memref<640xi32, #tpu.memory_space<vmem>>) semaphore(%arg24 : memref<!tpu.dma_semaphore, #tpu.memory_space<semaphore_mem>>)
    %dma_start3A_238 = arith.constant 0 : i32
    %dma_start3A_239 = arith.constant 0 : i32
    %dma_start3A_240 = tpu.memref_slice %arg5[%dma_start3A_238, %dma_start3A_239] : memref<700000x8xf32, #tpu.memory_space<hbm>> -> memref<700000x8xf32, #tpu.memory_space<hbm>>
    tpu.enqueue_indirect_dma source(%dma_start3A_240 : memref<700000x8xf32, #tpu.memory_space<hbm>>) target(%arg15 : memref<4480x8xf32, #tpu.memory_space<vmem>>) offsets(%arg13 : memref<4480xi32, #tpu.memory_space<vmem>>) semaphore(%arg25 : memref<!tpu.dma_semaphore, #tpu.memory_space<semaphore_mem>>)
    %dma_wait3A_241 = arith.constant 0 : i32
    %dma_wait3A_242 = arith.constant 0 : i32
    %dma_wait3A_243 = tpu.memref_slice %arg4[%dma_wait3A_241, %dma_wait3A_242] : memref<1000000x8xf32, #tpu.memory_space<hbm>> -> memref<1000000x8xf32, #tpu.memory_space<hbm>>
    tpu.wait_indirect_dma semaphore(%arg24 : memref<!tpu.dma_semaphore, #tpu.memory_space<semaphore_mem>>) src(%dma_wait3A_243 : memref<1000000x8xf32, #tpu.memory_space<hbm>>) dst(%arg14 : memref<640x8xf32, #tpu.memory_space<vmem>>)
    %dma_wait3A_244 = arith.constant 0 : i32
    %dma_wait3A_245 = arith.constant 0 : i32
    %dma_wait3A_246 = tpu.memref_slice %arg5[%dma_wait3A_244, %dma_wait3A_245] : memref<700000x8xf32, #tpu.memory_space<hbm>> -> memref<700000x8xf32, #tpu.memory_space<hbm>>
    tpu.wait_indirect_dma semaphore(%arg25 : memref<!tpu.dma_semaphore, #tpu.memory_space<semaphore_mem>>) src(%dma_wait3A_246 : memref<700000x8xf32, #tpu.memory_space<hbm>>) dst(%arg15 : memref<4480x8xf32, #tpu.memory_space<vmem>>)
    %add3A_247 = arith.constant 4480 : i32
    %add3A_248 = arith.addi %mul3A_2, %add3A_247 : i32
    %dma_start3A_249 = tpu.memref_slice %arg2[%add3A_248] : memref<204800xi32, #tpu.memory_space<hbm>> -> memref<640xi32, #tpu.memory_space<hbm>>
    %dma_start3A_250 = tpu.memref_slice %arg2[%add3A_248] : memref<204800xi32, #tpu.memory_space<hbm>> -> memref<640xi32, #tpu.memory_space<hbm>>
    tpu.enqueue_dma source(%dma_start3A_250 : memref<640xi32, #tpu.memory_space<hbm>>) target(%arg12 : memref<640xi32, #tpu.memory_space<vmem>>) target_semaphore(%arg22 : memref<!tpu.dma_semaphore, #tpu.memory_space<semaphore_mem>>)
    %mul3A_251 = arith.constant 7 : i32
    %mul3A_252 = arith.muli %add3A_248, %mul3A_251 : i32
    %dma_start3A_253 = tpu.memref_slice %arg3[%mul3A_252] : memref<1433600xi32, #tpu.memory_space<hbm>> -> memref<4480xi32, #tpu.memory_space<hbm>>
    %dma_start3A_254 = tpu.memref_slice %arg3[%mul3A_252] : memref<1433600xi32, #tpu.memory_space<hbm>> -> memref<4480xi32, #tpu.memory_space<hbm>>
    tpu.enqueue_dma source(%dma_start3A_254 : memref<4480xi32, #tpu.memory_space<hbm>>) target(%arg13 : memref<4480xi32, #tpu.memory_space<vmem>>) target_semaphore(%arg23 : memref<!tpu.dma_semaphore, #tpu.memory_space<semaphore_mem>>)
    %dma_start3A_255 = arith.constant 0 : i32
    %dma_start3A_256 = tpu.memref_slice %arg6[%add3A_222, %dma_start3A_255] : memref<204800x8xf32, #tpu.memory_space<hbm>> -> memref<640x8xf32, #tpu.memory_space<hbm>>
    %dma_start3A_257 = arith.constant 0 : i32
    %dma_start3A_258 = tpu.memref_slice %arg6[%add3A_222, %dma_start3A_257] : memref<204800x8xf32, #tpu.memory_space<hbm>> -> memref<640x8xf32, #tpu.memory_space<hbm>>
    tpu.enqueue_dma source(%arg14 : memref<640x8xf32, #tpu.memory_space<vmem>>) target(%dma_start3A_258 : memref<640x8xf32, #tpu.memory_space<hbm>>) target_semaphore(%arg26 : memref<!tpu.dma_semaphore, #tpu.memory_space<semaphore_mem>>)
    %mul3A_259 = arith.constant 7 : i32
    %mul3A_260 = arith.muli %add3A_222, %mul3A_259 : i32
    %dma_start3A_261 = arith.constant 0 : i32
    %dma_start3A_262 = tpu.memref_slice %arg7[%mul3A_260, %dma_start3A_261] : memref<1433600x8xf32, #tpu.memory_space<hbm>> -> memref<4480x8xf32, #tpu.memory_space<hbm>>
    %dma_start3A_263 = arith.constant 0 : i32
    %dma_start3A_264 = tpu.memref_slice %arg7[%mul3A_260, %dma_start3A_263] : memref<1433600x8xf32, #tpu.memory_space<hbm>> -> memref<4480x8xf32, #tpu.memory_space<hbm>>
    tpu.enqueue_dma source(%arg15 : memref<4480x8xf32, #tpu.memory_space<vmem>>) target(%dma_start3A_264 : memref<4480x8xf32, #tpu.memory_space<hbm>>) target_semaphore(%arg27 : memref<!tpu.dma_semaphore, #tpu.memory_space<semaphore_mem>>)
    %add3A_265 = arith.constant 3840 : i32
    %add3A_266 = arith.addi %mul3A_2, %add3A_265 : i32
    %dma_wait3A_267 = tpu.memref_slice %arg2[%add3A_204] : memref<204800xi32, #tpu.memory_space<hbm>> -> memref<640xi32, #tpu.memory_space<hbm>>
    %dma_wait3A_268 = tpu.memref_slice %arg2[%add3A_204] : memref<204800xi32, #tpu.memory_space<hbm>> -> memref<640xi32, #tpu.memory_space<hbm>>
    tpu.wait_dma2 semaphore(%arg16 : memref<!tpu.dma_semaphore, #tpu.memory_space<semaphore_mem>>) src(%dma_wait3A_268 : memref<640xi32, #tpu.memory_space<hbm>>) dst(%arg8 : memref<640xi32, #tpu.memory_space<vmem>>)
    %dma_wait3A_269 = tpu.memref_slice %arg3[%mul3A_208] : memref<1433600xi32, #tpu.memory_space<hbm>> -> memref<4480xi32, #tpu.memory_space<hbm>>
    %dma_wait3A_270 = tpu.memref_slice %arg3[%mul3A_208] : memref<1433600xi32, #tpu.memory_space<hbm>> -> memref<4480xi32, #tpu.memory_space<hbm>>
    tpu.wait_dma2 semaphore(%arg17 : memref<!tpu.dma_semaphore, #tpu.memory_space<semaphore_mem>>) src(%dma_wait3A_270 : memref<4480xi32, #tpu.memory_space<hbm>>) dst(%arg9 : memref<4480xi32, #tpu.memory_space<vmem>>)
    %dma_wait3A_271 = arith.constant 0 : i32
    %dma_wait3A_272 = tpu.memref_slice %arg6[%add3A_178, %dma_wait3A_271] : memref<204800x8xf32, #tpu.memory_space<hbm>> -> memref<640x8xf32, #tpu.memory_space<hbm>>
    %dma_wait3A_273 = arith.constant 0 : i32
    %dma_wait3A_274 = tpu.memref_slice %arg6[%add3A_178, %dma_wait3A_273] : memref<204800x8xf32, #tpu.memory_space<hbm>> -> memref<640x8xf32, #tpu.memory_space<hbm>>
    tpu.wait_dma2 semaphore(%arg20 : memref<!tpu.dma_semaphore, #tpu.memory_space<semaphore_mem>>) src(%arg10 : memref<640x8xf32, #tpu.memory_space<vmem>>) dst(%dma_wait3A_274 : memref<640x8xf32, #tpu.memory_space<hbm>>)
    %dma_wait3A_275 = arith.constant 0 : i32
    %dma_wait3A_276 = tpu.memref_slice %arg7[%mul3A_216, %dma_wait3A_275] : memref<1433600x8xf32, #tpu.memory_space<hbm>> -> memref<4480x8xf32, #tpu.memory_space<hbm>>
    %dma_wait3A_277 = arith.constant 0 : i32
    %dma_wait3A_278 = tpu.memref_slice %arg7[%mul3A_216, %dma_wait3A_277] : memref<1433600x8xf32, #tpu.memory_space<hbm>> -> memref<4480x8xf32, #tpu.memory_space<hbm>>
    tpu.wait_dma2 semaphore(%arg21 : memref<!tpu.dma_semaphore, #tpu.memory_space<semaphore_mem>>) src(%arg11 : memref<4480x8xf32, #tpu.memory_space<vmem>>) dst(%dma_wait3A_278 : memref<4480x8xf32, #tpu.memory_space<hbm>>)
    %dma_start3A_279 = arith.constant 0 : i32
    %dma_start3A_280 = arith.constant 0 : i32
    %dma_start3A_281 = tpu.memref_slice %arg4[%dma_start3A_279, %dma_start3A_280] : memref<1000000x8xf32, #tpu.memory_space<hbm>> -> memref<1000000x8xf32, #tpu.memory_space<hbm>>
    tpu.enqueue_indirect_dma source(%dma_start3A_281 : memref<1000000x8xf32, #tpu.memory_space<hbm>>) target(%arg10 : memref<640x8xf32, #tpu.memory_space<vmem>>) offsets(%arg8 : memref<640xi32, #tpu.memory_space<vmem>>) semaphore(%arg18 : memref<!tpu.dma_semaphore, #tpu.memory_space<semaphore_mem>>)
    %dma_start3A_282 = arith.constant 0 : i32
    %dma_start3A_283 = arith.constant 0 : i32
    %dma_start3A_284 = tpu.memref_slice %arg5[%dma_start3A_282, %dma_start3A_283] : memref<700000x8xf32, #tpu.memory_space<hbm>> -> memref<700000x8xf32, #tpu.memory_space<hbm>>
    tpu.enqueue_indirect_dma source(%dma_start3A_284 : memref<700000x8xf32, #tpu.memory_space<hbm>>) target(%arg11 : memref<4480x8xf32, #tpu.memory_space<vmem>>) offsets(%arg9 : memref<4480xi32, #tpu.memory_space<vmem>>) semaphore(%arg19 : memref<!tpu.dma_semaphore, #tpu.memory_space<semaphore_mem>>)
    %dma_wait3A_285 = arith.constant 0 : i32
    %dma_wait3A_286 = arith.constant 0 : i32
    %dma_wait3A_287 = tpu.memref_slice %arg4[%dma_wait3A_285, %dma_wait3A_286] : memref<1000000x8xf32, #tpu.memory_space<hbm>> -> memref<1000000x8xf32, #tpu.memory_space<hbm>>
    tpu.wait_indirect_dma semaphore(%arg18 : memref<!tpu.dma_semaphore, #tpu.memory_space<semaphore_mem>>) src(%dma_wait3A_287 : memref<1000000x8xf32, #tpu.memory_space<hbm>>) dst(%arg10 : memref<640x8xf32, #tpu.memory_space<vmem>>)
    %dma_wait3A_288 = arith.constant 0 : i32
    %dma_wait3A_289 = arith.constant 0 : i32
    %dma_wait3A_290 = tpu.memref_slice %arg5[%dma_wait3A_288, %dma_wait3A_289] : memref<700000x8xf32, #tpu.memory_space<hbm>> -> memref<700000x8xf32, #tpu.memory_space<hbm>>
    tpu.wait_indirect_dma semaphore(%arg19 : memref<!tpu.dma_semaphore, #tpu.memory_space<semaphore_mem>>) src(%dma_wait3A_290 : memref<700000x8xf32, #tpu.memory_space<hbm>>) dst(%arg11 : memref<4480x8xf32, #tpu.memory_space<vmem>>)
    %add3A_291 = arith.constant 5120 : i32
    %add3A_292 = arith.addi %mul3A_2, %add3A_291 : i32
    %dma_start3A_293 = tpu.memref_slice %arg2[%add3A_292] : memref<204800xi32, #tpu.memory_space<hbm>> -> memref<640xi32, #tpu.memory_space<hbm>>
    %dma_start3A_294 = tpu.memref_slice %arg2[%add3A_292] : memref<204800xi32, #tpu.memory_space<hbm>> -> memref<640xi32, #tpu.memory_space<hbm>>
    tpu.enqueue_dma source(%dma_start3A_294 : memref<640xi32, #tpu.memory_space<hbm>>) target(%arg8 : memref<640xi32, #tpu.memory_space<vmem>>) target_semaphore(%arg16 : memref<!tpu.dma_semaphore, #tpu.memory_space<semaphore_mem>>)
    %mul3A_295 = arith.constant 7 : i32
    %mul3A_296 = arith.muli %add3A_292, %mul3A_295 : i32
    %dma_start3A_297 = tpu.memref_slice %arg3[%mul3A_296] : memref<1433600xi32, #tpu.memory_space<hbm>> -> memref<4480xi32, #tpu.memory_space<hbm>>
    %dma_start3A_298 = tpu.memref_slice %arg3[%mul3A_296] : memref<1433600xi32, #tpu.memory_space<hbm>> -> memref<4480xi32, #tpu.memory_space<hbm>>
    tpu.enqueue_dma source(%dma_start3A_298 : memref<4480xi32, #tpu.memory_space<hbm>>) target(%arg9 : memref<4480xi32, #tpu.memory_space<vmem>>) target_semaphore(%arg17 : memref<!tpu.dma_semaphore, #tpu.memory_space<semaphore_mem>>)
    %dma_start3A_299 = arith.constant 0 : i32
    %dma_start3A_300 = tpu.memref_slice %arg6[%add3A_266, %dma_start3A_299] : memref<204800x8xf32, #tpu.memory_space<hbm>> -> memref<640x8xf32, #tpu.memory_space<hbm>>
    %dma_start3A_301 = arith.constant 0 : i32
    %dma_start3A_302 = tpu.memref_slice %arg6[%add3A_266, %dma_start3A_301] : memref<204800x8xf32, #tpu.memory_space<hbm>> -> memref<640x8xf32, #tpu.memory_space<hbm>>
    tpu.enqueue_dma source(%arg10 : memref<640x8xf32, #tpu.memory_space<vmem>>) target(%dma_start3A_302 : memref<640x8xf32, #tpu.memory_space<hbm>>) target_semaphore(%arg20 : memref<!tpu.dma_semaphore, #tpu.memory_space<semaphore_mem>>)
    %mul3A_303 = arith.constant 7 : i32
    %mul3A_304 = arith.muli %add3A_266, %mul3A_303 : i32
    %dma_start3A_305 = arith.constant 0 : i32
    %dma_start3A_306 = tpu.memref_slice %arg7[%mul3A_304, %dma_start3A_305] : memref<1433600x8xf32, #tpu.memory_space<hbm>> -> memref<4480x8xf32, #tpu.memory_space<hbm>>
    %dma_start3A_307 = arith.constant 0 : i32
    %dma_start3A_308 = tpu.memref_slice %arg7[%mul3A_304, %dma_start3A_307] : memref<1433600x8xf32, #tpu.memory_space<hbm>> -> memref<4480x8xf32, #tpu.memory_space<hbm>>
    tpu.enqueue_dma source(%arg11 : memref<4480x8xf32, #tpu.memory_space<vmem>>) target(%dma_start3A_308 : memref<4480x8xf32, #tpu.memory_space<hbm>>) target_semaphore(%arg21 : memref<!tpu.dma_semaphore, #tpu.memory_space<semaphore_mem>>)
    %add3A_309 = arith.constant 4480 : i32
    %add3A_310 = arith.addi %mul3A_2, %add3A_309 : i32
    %dma_wait3A_311 = tpu.memref_slice %arg2[%add3A_248] : memref<204800xi32, #tpu.memory_space<hbm>> -> memref<640xi32, #tpu.memory_space<hbm>>
    %dma_wait3A_312 = tpu.memref_slice %arg2[%add3A_248] : memref<204800xi32, #tpu.memory_space<hbm>> -> memref<640xi32, #tpu.memory_space<hbm>>
    tpu.wait_dma2 semaphore(%arg22 : memref<!tpu.dma_semaphore, #tpu.memory_space<semaphore_mem>>) src(%dma_wait3A_312 : memref<640xi32, #tpu.memory_space<hbm>>) dst(%arg12 : memref<640xi32, #tpu.memory_space<vmem>>)
    %dma_wait3A_313 = tpu.memref_slice %arg3[%mul3A_252] : memref<1433600xi32, #tpu.memory_space<hbm>> -> memref<4480xi32, #tpu.memory_space<hbm>>
    %dma_wait3A_314 = tpu.memref_slice %arg3[%mul3A_252] : memref<1433600xi32, #tpu.memory_space<hbm>> -> memref<4480xi32, #tpu.memory_space<hbm>>
    tpu.wait_dma2 semaphore(%arg23 : memref<!tpu.dma_semaphore, #tpu.memory_space<semaphore_mem>>) src(%dma_wait3A_314 : memref<4480xi32, #tpu.memory_space<hbm>>) dst(%arg13 : memref<4480xi32, #tpu.memory_space<vmem>>)
    %dma_wait3A_315 = arith.constant 0 : i32
    %dma_wait3A_316 = tpu.memref_slice %arg6[%add3A_222, %dma_wait3A_315] : memref<204800x8xf32, #tpu.memory_space<hbm>> -> memref<640x8xf32, #tpu.memory_space<hbm>>
    %dma_wait3A_317 = arith.constant 0 : i32
    %dma_wait3A_318 = tpu.memref_slice %arg6[%add3A_222, %dma_wait3A_317] : memref<204800x8xf32, #tpu.memory_space<hbm>> -> memref<640x8xf32, #tpu.memory_space<hbm>>
    tpu.wait_dma2 semaphore(%arg26 : memref<!tpu.dma_semaphore, #tpu.memory_space<semaphore_mem>>) src(%arg14 : memref<640x8xf32, #tpu.memory_space<vmem>>) dst(%dma_wait3A_318 : memref<640x8xf32, #tpu.memory_space<hbm>>)
    %dma_wait3A_319 = arith.constant 0 : i32
    %dma_wait3A_320 = tpu.memref_slice %arg7[%mul3A_260, %dma_wait3A_319] : memref<1433600x8xf32, #tpu.memory_space<hbm>> -> memref<4480x8xf32, #tpu.memory_space<hbm>>
    %dma_wait3A_321 = arith.constant 0 : i32
    %dma_wait3A_322 = tpu.memref_slice %arg7[%mul3A_260, %dma_wait3A_321] : memref<1433600x8xf32, #tpu.memory_space<hbm>> -> memref<4480x8xf32, #tpu.memory_space<hbm>>
    tpu.wait_dma2 semaphore(%arg27 : memref<!tpu.dma_semaphore, #tpu.memory_space<semaphore_mem>>) src(%arg15 : memref<4480x8xf32, #tpu.memory_space<vmem>>) dst(%dma_wait3A_322 : memref<4480x8xf32, #tpu.memory_space<hbm>>)
    %dma_start3A_323 = arith.constant 0 : i32
    %dma_start3A_324 = arith.constant 0 : i32
    %dma_start3A_325 = tpu.memref_slice %arg4[%dma_start3A_323, %dma_start3A_324] : memref<1000000x8xf32, #tpu.memory_space<hbm>> -> memref<1000000x8xf32, #tpu.memory_space<hbm>>
    tpu.enqueue_indirect_dma source(%dma_start3A_325 : memref<1000000x8xf32, #tpu.memory_space<hbm>>) target(%arg14 : memref<640x8xf32, #tpu.memory_space<vmem>>) offsets(%arg12 : memref<640xi32, #tpu.memory_space<vmem>>) semaphore(%arg24 : memref<!tpu.dma_semaphore, #tpu.memory_space<semaphore_mem>>)
    %dma_start3A_326 = arith.constant 0 : i32
    %dma_start3A_327 = arith.constant 0 : i32
    %dma_start3A_328 = tpu.memref_slice %arg5[%dma_start3A_326, %dma_start3A_327] : memref<700000x8xf32, #tpu.memory_space<hbm>> -> memref<700000x8xf32, #tpu.memory_space<hbm>>
    tpu.enqueue_indirect_dma source(%dma_start3A_328 : memref<700000x8xf32, #tpu.memory_space<hbm>>) target(%arg15 : memref<4480x8xf32, #tpu.memory_space<vmem>>) offsets(%arg13 : memref<4480xi32, #tpu.memory_space<vmem>>) semaphore(%arg25 : memref<!tpu.dma_semaphore, #tpu.memory_space<semaphore_mem>>)
    %dma_wait3A_329 = arith.constant 0 : i32
    %dma_wait3A_330 = arith.constant 0 : i32
    %dma_wait3A_331 = tpu.memref_slice %arg4[%dma_wait3A_329, %dma_wait3A_330] : memref<1000000x8xf32, #tpu.memory_space<hbm>> -> memref<1000000x8xf32, #tpu.memory_space<hbm>>
    tpu.wait_indirect_dma semaphore(%arg24 : memref<!tpu.dma_semaphore, #tpu.memory_space<semaphore_mem>>) src(%dma_wait3A_331 : memref<1000000x8xf32, #tpu.memory_space<hbm>>) dst(%arg14 : memref<640x8xf32, #tpu.memory_space<vmem>>)
    %dma_wait3A_332 = arith.constant 0 : i32
    %dma_wait3A_333 = arith.constant 0 : i32
    %dma_wait3A_334 = tpu.memref_slice %arg5[%dma_wait3A_332, %dma_wait3A_333] : memref<700000x8xf32, #tpu.memory_space<hbm>> -> memref<700000x8xf32, #tpu.memory_space<hbm>>
    tpu.wait_indirect_dma semaphore(%arg25 : memref<!tpu.dma_semaphore, #tpu.memory_space<semaphore_mem>>) src(%dma_wait3A_334 : memref<700000x8xf32, #tpu.memory_space<hbm>>) dst(%arg15 : memref<4480x8xf32, #tpu.memory_space<vmem>>)
    %add3A_335 = arith.constant 5760 : i32
    %add3A_336 = arith.addi %mul3A_2, %add3A_335 : i32
    %dma_start3A_337 = tpu.memref_slice %arg2[%add3A_336] : memref<204800xi32, #tpu.memory_space<hbm>> -> memref<640xi32, #tpu.memory_space<hbm>>
    %dma_start3A_338 = tpu.memref_slice %arg2[%add3A_336] : memref<204800xi32, #tpu.memory_space<hbm>> -> memref<640xi32, #tpu.memory_space<hbm>>
    tpu.enqueue_dma source(%dma_start3A_338 : memref<640xi32, #tpu.memory_space<hbm>>) target(%arg12 : memref<640xi32, #tpu.memory_space<vmem>>) target_semaphore(%arg22 : memref<!tpu.dma_semaphore, #tpu.memory_space<semaphore_mem>>)
    %mul3A_339 = arith.constant 7 : i32
    %mul3A_340 = arith.muli %add3A_336, %mul3A_339 : i32
    %dma_start3A_341 = tpu.memref_slice %arg3[%mul3A_340] : memref<1433600xi32, #tpu.memory_space<hbm>> -> memref<4480xi32, #tpu.memory_space<hbm>>
    %dma_start3A_342 = tpu.memref_slice %arg3[%mul3A_340] : memref<1433600xi32, #tpu.memory_space<hbm>> -> memref<4480xi32, #tpu.memory_space<hbm>>
    tpu.enqueue_dma source(%dma_start3A_342 : memref<4480xi32, #tpu.memory_space<hbm>>) target(%arg13 : memref<4480xi32, #tpu.memory_space<vmem>>) target_semaphore(%arg23 : memref<!tpu.dma_semaphore, #tpu.memory_space<semaphore_mem>>)
    %dma_start3A_343 = arith.constant 0 : i32
    %dma_start3A_344 = tpu.memref_slice %arg6[%add3A_310, %dma_start3A_343] : memref<204800x8xf32, #tpu.memory_space<hbm>> -> memref<640x8xf32, #tpu.memory_space<hbm>>
    %dma_start3A_345 = arith.constant 0 : i32
    %dma_start3A_346 = tpu.memref_slice %arg6[%add3A_310, %dma_start3A_345] : memref<204800x8xf32, #tpu.memory_space<hbm>> -> memref<640x8xf32, #tpu.memory_space<hbm>>
    tpu.enqueue_dma source(%arg14 : memref<640x8xf32, #tpu.memory_space<vmem>>) target(%dma_start3A_346 : memref<640x8xf32, #tpu.memory_space<hbm>>) target_semaphore(%arg26 : memref<!tpu.dma_semaphore, #tpu.memory_space<semaphore_mem>>)
    %mul3A_347 = arith.constant 7 : i32
    %mul3A_348 = arith.muli %add3A_310, %mul3A_347 : i32
    %dma_start3A_349 = arith.constant 0 : i32
    %dma_start3A_350 = tpu.memref_slice %arg7[%mul3A_348, %dma_start3A_349] : memref<1433600x8xf32, #tpu.memory_space<hbm>> -> memref<4480x8xf32, #tpu.memory_space<hbm>>
    %dma_start3A_351 = arith.constant 0 : i32
    %dma_start3A_352 = tpu.memref_slice %arg7[%mul3A_348, %dma_start3A_351] : memref<1433600x8xf32, #tpu.memory_space<hbm>> -> memref<4480x8xf32, #tpu.memory_space<hbm>>
    tpu.enqueue_dma source(%arg15 : memref<4480x8xf32, #tpu.memory_space<vmem>>) target(%dma_start3A_352 : memref<4480x8xf32, #tpu.memory_space<hbm>>) target_semaphore(%arg27 : memref<!tpu.dma_semaphore, #tpu.memory_space<semaphore_mem>>)
    %add3A_353 = arith.constant 5120 : i32
    %add3A_354 = arith.addi %mul3A_2, %add3A_353 : i32
    %dma_wait3A_355 = tpu.memref_slice %arg2[%add3A_292] : memref<204800xi32, #tpu.memory_space<hbm>> -> memref<640xi32, #tpu.memory_space<hbm>>
    %dma_wait3A_356 = tpu.memref_slice %arg2[%add3A_292] : memref<204800xi32, #tpu.memory_space<hbm>> -> memref<640xi32, #tpu.memory_space<hbm>>
    tpu.wait_dma2 semaphore(%arg16 : memref<!tpu.dma_semaphore, #tpu.memory_space<semaphore_mem>>) src(%dma_wait3A_356 : memref<640xi32, #tpu.memory_space<hbm>>) dst(%arg8 : memref<640xi32, #tpu.memory_space<vmem>>)
    %dma_wait3A_357 = tpu.memref_slice %arg3[%mul3A_296] : memref<1433600xi32, #tpu.memory_space<hbm>> -> memref<4480xi32, #tpu.memory_space<hbm>>
    %dma_wait3A_358 = tpu.memref_slice %arg3[%mul3A_296] : memref<1433600xi32, #tpu.memory_space<hbm>> -> memref<4480xi32, #tpu.memory_space<hbm>>
    tpu.wait_dma2 semaphore(%arg17 : memref<!tpu.dma_semaphore, #tpu.memory_space<semaphore_mem>>) src(%dma_wait3A_358 : memref<4480xi32, #tpu.memory_space<hbm>>) dst(%arg9 : memref<4480xi32, #tpu.memory_space<vmem>>)
    %dma_wait3A_359 = arith.constant 0 : i32
    %dma_wait3A_360 = tpu.memref_slice %arg6[%add3A_266, %dma_wait3A_359] : memref<204800x8xf32, #tpu.memory_space<hbm>> -> memref<640x8xf32, #tpu.memory_space<hbm>>
    %dma_wait3A_361 = arith.constant 0 : i32
    %dma_wait3A_362 = tpu.memref_slice %arg6[%add3A_266, %dma_wait3A_361] : memref<204800x8xf32, #tpu.memory_space<hbm>> -> memref<640x8xf32, #tpu.memory_space<hbm>>
    tpu.wait_dma2 semaphore(%arg20 : memref<!tpu.dma_semaphore, #tpu.memory_space<semaphore_mem>>) src(%arg10 : memref<640x8xf32, #tpu.memory_space<vmem>>) dst(%dma_wait3A_362 : memref<640x8xf32, #tpu.memory_space<hbm>>)
    %dma_wait3A_363 = arith.constant 0 : i32
    %dma_wait3A_364 = tpu.memref_slice %arg7[%mul3A_304, %dma_wait3A_363] : memref<1433600x8xf32, #tpu.memory_space<hbm>> -> memref<4480x8xf32, #tpu.memory_space<hbm>>
    %dma_wait3A_365 = arith.constant 0 : i32
    %dma_wait3A_366 = tpu.memref_slice %arg7[%mul3A_304, %dma_wait3A_365] : memref<1433600x8xf32, #tpu.memory_space<hbm>> -> memref<4480x8xf32, #tpu.memory_space<hbm>>
    tpu.wait_dma2 semaphore(%arg21 : memref<!tpu.dma_semaphore, #tpu.memory_space<semaphore_mem>>) src(%arg11 : memref<4480x8xf32, #tpu.memory_space<vmem>>) dst(%dma_wait3A_366 : memref<4480x8xf32, #tpu.memory_space<hbm>>)
    %dma_start3A_367 = arith.constant 0 : i32
    %dma_start3A_368 = arith.constant 0 : i32
    %dma_start3A_369 = tpu.memref_slice %arg4[%dma_start3A_367, %dma_start3A_368] : memref<1000000x8xf32, #tpu.memory_space<hbm>> -> memref<1000000x8xf32, #tpu.memory_space<hbm>>
    tpu.enqueue_indirect_dma source(%dma_start3A_369 : memref<1000000x8xf32, #tpu.memory_space<hbm>>) target(%arg10 : memref<640x8xf32, #tpu.memory_space<vmem>>) offsets(%arg8 : memref<640xi32, #tpu.memory_space<vmem>>) semaphore(%arg18 : memref<!tpu.dma_semaphore, #tpu.memory_space<semaphore_mem>>)
    %dma_start3A_370 = arith.constant 0 : i32
    %dma_start3A_371 = arith.constant 0 : i32
    %dma_start3A_372 = tpu.memref_slice %arg5[%dma_start3A_370, %dma_start3A_371] : memref<700000x8xf32, #tpu.memory_space<hbm>> -> memref<700000x8xf32, #tpu.memory_space<hbm>>
    tpu.enqueue_indirect_dma source(%dma_start3A_372 : memref<700000x8xf32, #tpu.memory_space<hbm>>) target(%arg11 : memref<4480x8xf32, #tpu.memory_space<vmem>>) offsets(%arg9 : memref<4480xi32, #tpu.memory_space<vmem>>) semaphore(%arg19 : memref<!tpu.dma_semaphore, #tpu.memory_space<semaphore_mem>>)
    %dma_wait3A_373 = arith.constant 0 : i32
    %dma_wait3A_374 = arith.constant 0 : i32
    %dma_wait3A_375 = tpu.memref_slice %arg4[%dma_wait3A_373, %dma_wait3A_374] : memref<1000000x8xf32, #tpu.memory_space<hbm>> -> memref<1000000x8xf32, #tpu.memory_space<hbm>>
    tpu.wait_indirect_dma semaphore(%arg18 : memref<!tpu.dma_semaphore, #tpu.memory_space<semaphore_mem>>) src(%dma_wait3A_375 : memref<1000000x8xf32, #tpu.memory_space<hbm>>) dst(%arg10 : memref<640x8xf32, #tpu.memory_space<vmem>>)
    %dma_wait3A_376 = arith.constant 0 : i32
    %dma_wait3A_377 = arith.constant 0 : i32
    %dma_wait3A_378 = tpu.memref_slice %arg5[%dma_wait3A_376, %dma_wait3A_377] : memref<700000x8xf32, #tpu.memory_space<hbm>> -> memref<700000x8xf32, #tpu.memory_space<hbm>>
    tpu.wait_indirect_dma semaphore(%arg19 : memref<!tpu.dma_semaphore, #tpu.memory_space<semaphore_mem>>) src(%dma_wait3A_378 : memref<700000x8xf32, #tpu.memory_space<hbm>>) dst(%arg11 : memref<4480x8xf32, #tpu.memory_space<vmem>>)
    %dma_start3A_379 = arith.constant 0 : i32
    %dma_start3A_380 = tpu.memref_slice %arg6[%add3A_354, %dma_start3A_379] : memref<204800x8xf32, #tpu.memory_space<hbm>> -> memref<640x8xf32, #tpu.memory_space<hbm>>
    %dma_start3A_381 = arith.constant 0 : i32
    %dma_start3A_382 = tpu.memref_slice %arg6[%add3A_354, %dma_start3A_381] : memref<204800x8xf32, #tpu.memory_space<hbm>> -> memref<640x8xf32, #tpu.memory_space<hbm>>
    tpu.enqueue_dma source(%arg10 : memref<640x8xf32, #tpu.memory_space<vmem>>) target(%dma_start3A_382 : memref<640x8xf32, #tpu.memory_space<hbm>>) target_semaphore(%arg20 : memref<!tpu.dma_semaphore, #tpu.memory_space<semaphore_mem>>)
    %mul3A_383 = arith.constant 7 : i32
    %mul3A_384 = arith.muli %add3A_354, %mul3A_383 : i32
    %dma_start3A_385 = arith.constant 0 : i32
    %dma_start3A_386 = tpu.memref_slice %arg7[%mul3A_384, %dma_start3A_385] : memref<1433600x8xf32, #tpu.memory_space<hbm>> -> memref<4480x8xf32, #tpu.memory_space<hbm>>
    %dma_start3A_387 = arith.constant 0 : i32
    %dma_start3A_388 = tpu.memref_slice %arg7[%mul3A_384, %dma_start3A_387] : memref<1433600x8xf32, #tpu.memory_space<hbm>> -> memref<4480x8xf32, #tpu.memory_space<hbm>>
    tpu.enqueue_dma source(%arg11 : memref<4480x8xf32, #tpu.memory_space<vmem>>) target(%dma_start3A_388 : memref<4480x8xf32, #tpu.memory_space<hbm>>) target_semaphore(%arg21 : memref<!tpu.dma_semaphore, #tpu.memory_space<semaphore_mem>>)
    %add3A_389 = arith.constant 5760 : i32
    %add3A_390 = arith.addi %mul3A_2, %add3A_389 : i32
    %dma_wait3A_391 = tpu.memref_slice %arg2[%add3A_336] : memref<204800xi32, #tpu.memory_space<hbm>> -> memref<640xi32, #tpu.memory_space<hbm>>
    %dma_wait3A_392 = tpu.memref_slice %arg2[%add3A_336] : memref<204800xi32, #tpu.memory_space<hbm>> -> memref<640xi32, #tpu.memory_space<hbm>>
    tpu.wait_dma2 semaphore(%arg22 : memref<!tpu.dma_semaphore, #tpu.memory_space<semaphore_mem>>) src(%dma_wait3A_392 : memref<640xi32, #tpu.memory_space<hbm>>) dst(%arg12 : memref<640xi32, #tpu.memory_space<vmem>>)
    %dma_wait3A_393 = tpu.memref_slice %arg3[%mul3A_340] : memref<1433600xi32, #tpu.memory_space<hbm>> -> memref<4480xi32, #tpu.memory_space<hbm>>
    %dma_wait3A_394 = tpu.memref_slice %arg3[%mul3A_340] : memref<1433600xi32, #tpu.memory_space<hbm>> -> memref<4480xi32, #tpu.memory_space<hbm>>
    tpu.wait_dma2 semaphore(%arg23 : memref<!tpu.dma_semaphore, #tpu.memory_space<semaphore_mem>>) src(%dma_wait3A_394 : memref<4480xi32, #tpu.memory_space<hbm>>) dst(%arg13 : memref<4480xi32, #tpu.memory_space<vmem>>)
    %dma_wait3A_395 = arith.constant 0 : i32
    %dma_wait3A_396 = tpu.memref_slice %arg6[%add3A_310, %dma_wait3A_395] : memref<204800x8xf32, #tpu.memory_space<hbm>> -> memref<640x8xf32, #tpu.memory_space<hbm>>
    %dma_wait3A_397 = arith.constant 0 : i32
    %dma_wait3A_398 = tpu.memref_slice %arg6[%add3A_310, %dma_wait3A_397] : memref<204800x8xf32, #tpu.memory_space<hbm>> -> memref<640x8xf32, #tpu.memory_space<hbm>>
    tpu.wait_dma2 semaphore(%arg26 : memref<!tpu.dma_semaphore, #tpu.memory_space<semaphore_mem>>) src(%arg14 : memref<640x8xf32, #tpu.memory_space<vmem>>) dst(%dma_wait3A_398 : memref<640x8xf32, #tpu.memory_space<hbm>>)
    %dma_wait3A_399 = arith.constant 0 : i32
    %dma_wait3A_400 = tpu.memref_slice %arg7[%mul3A_348, %dma_wait3A_399] : memref<1433600x8xf32, #tpu.memory_space<hbm>> -> memref<4480x8xf32, #tpu.memory_space<hbm>>
    %dma_wait3A_401 = arith.constant 0 : i32
    %dma_wait3A_402 = tpu.memref_slice %arg7[%mul3A_348, %dma_wait3A_401] : memref<1433600x8xf32, #tpu.memory_space<hbm>> -> memref<4480x8xf32, #tpu.memory_space<hbm>>
    tpu.wait_dma2 semaphore(%arg27 : memref<!tpu.dma_semaphore, #tpu.memory_space<semaphore_mem>>) src(%arg15 : memref<4480x8xf32, #tpu.memory_space<vmem>>) dst(%dma_wait3A_402 : memref<4480x8xf32, #tpu.memory_space<hbm>>)
    %dma_start3A_403 = arith.constant 0 : i32
    %dma_start3A_404 = arith.constant 0 : i32
    %dma_start3A_405 = tpu.memref_slice %arg4[%dma_start3A_403, %dma_start3A_404] : memref<1000000x8xf32, #tpu.memory_space<hbm>> -> memref<1000000x8xf32, #tpu.memory_space<hbm>>
    tpu.enqueue_indirect_dma source(%dma_start3A_405 : memref<1000000x8xf32, #tpu.memory_space<hbm>>) target(%arg14 : memref<640x8xf32, #tpu.memory_space<vmem>>) offsets(%arg12 : memref<640xi32, #tpu.memory_space<vmem>>) semaphore(%arg24 : memref<!tpu.dma_semaphore, #tpu.memory_space<semaphore_mem>>)
    %dma_start3A_406 = arith.constant 0 : i32
    %dma_start3A_407 = arith.constant 0 : i32
    %dma_start3A_408 = tpu.memref_slice %arg5[%dma_start3A_406, %dma_start3A_407] : memref<700000x8xf32, #tpu.memory_space<hbm>> -> memref<700000x8xf32, #tpu.memory_space<hbm>>
    tpu.enqueue_indirect_dma source(%dma_start3A_408 : memref<700000x8xf32, #tpu.memory_space<hbm>>) target(%arg15 : memref<4480x8xf32, #tpu.memory_space<vmem>>) offsets(%arg13 : memref<4480xi32, #tpu.memory_space<vmem>>) semaphore(%arg25 : memref<!tpu.dma_semaphore, #tpu.memory_space<semaphore_mem>>)
    %dma_wait3A_409 = arith.constant 0 : i32
    %dma_wait3A_410 = arith.constant 0 : i32
    %dma_wait3A_411 = tpu.memref_slice %arg4[%dma_wait3A_409, %dma_wait3A_410] : memref<1000000x8xf32, #tpu.memory_space<hbm>> -> memref<1000000x8xf32, #tpu.memory_space<hbm>>
    tpu.wait_indirect_dma semaphore(%arg24 : memref<!tpu.dma_semaphore, #tpu.memory_space<semaphore_mem>>) src(%dma_wait3A_411 : memref<1000000x8xf32, #tpu.memory_space<hbm>>) dst(%arg14 : memref<640x8xf32, #tpu.memory_space<vmem>>)
    %dma_wait3A_412 = arith.constant 0 : i32
    %dma_wait3A_413 = arith.constant 0 : i32
    %dma_wait3A_414 = tpu.memref_slice %arg5[%dma_wait3A_412, %dma_wait3A_413] : memref<700000x8xf32, #tpu.memory_space<hbm>> -> memref<700000x8xf32, #tpu.memory_space<hbm>>
    tpu.wait_indirect_dma semaphore(%arg25 : memref<!tpu.dma_semaphore, #tpu.memory_space<semaphore_mem>>) src(%dma_wait3A_414 : memref<700000x8xf32, #tpu.memory_space<hbm>>) dst(%arg15 : memref<4480x8xf32, #tpu.memory_space<vmem>>)
    %dma_start3A_415 = arith.constant 0 : i32
    %dma_start3A_416 = tpu.memref_slice %arg6[%add3A_390, %dma_start3A_415] : memref<204800x8xf32, #tpu.memory_space<hbm>> -> memref<640x8xf32, #tpu.memory_space<hbm>>
    %dma_start3A_417 = arith.constant 0 : i32
    %dma_start3A_418 = tpu.memref_slice %arg6[%add3A_390, %dma_start3A_417] : memref<204800x8xf32, #tpu.memory_space<hbm>> -> memref<640x8xf32, #tpu.memory_space<hbm>>
    tpu.enqueue_dma source(%arg14 : memref<640x8xf32, #tpu.memory_space<vmem>>) target(%dma_start3A_418 : memref<640x8xf32, #tpu.memory_space<hbm>>) target_semaphore(%arg26 : memref<!tpu.dma_semaphore, #tpu.memory_space<semaphore_mem>>)
    %mul3A_419 = arith.constant 7 : i32
    %mul3A_420 = arith.muli %add3A_390, %mul3A_419 : i32
    %dma_start3A_421 = arith.constant 0 : i32
    %dma_start3A_422 = tpu.memref_slice %arg7[%mul3A_420, %dma_start3A_421] : memref<1433600x8xf32, #tpu.memory_space<hbm>> -> memref<4480x8xf32, #tpu.memory_space<hbm>>
    %dma_start3A_423 = arith.constant 0 : i32
    %dma_start3A_424 = tpu.memref_slice %arg7[%mul3A_420, %dma_start3A_423] : memref<1433600x8xf32, #tpu.memory_space<hbm>> -> memref<4480x8xf32, #tpu.memory_space<hbm>>
    tpu.enqueue_dma source(%arg15 : memref<4480x8xf32, #tpu.memory_space<vmem>>) target(%dma_start3A_424 : memref<4480x8xf32, #tpu.memory_space<hbm>>) target_semaphore(%arg27 : memref<!tpu.dma_semaphore, #tpu.memory_space<semaphore_mem>>)
    %dma_wait3A_425 = arith.constant 0 : i32
    %dma_wait3A_426 = tpu.memref_slice %arg6[%add3A_354, %dma_wait3A_425] : memref<204800x8xf32, #tpu.memory_space<hbm>> -> memref<640x8xf32, #tpu.memory_space<hbm>>
    %dma_wait3A_427 = arith.constant 0 : i32
    %dma_wait3A_428 = tpu.memref_slice %arg6[%add3A_354, %dma_wait3A_427] : memref<204800x8xf32, #tpu.memory_space<hbm>> -> memref<640x8xf32, #tpu.memory_space<hbm>>
    tpu.wait_dma2 semaphore(%arg20 : memref<!tpu.dma_semaphore, #tpu.memory_space<semaphore_mem>>) src(%arg10 : memref<640x8xf32, #tpu.memory_space<vmem>>) dst(%dma_wait3A_428 : memref<640x8xf32, #tpu.memory_space<hbm>>)
    %dma_wait3A_429 = arith.constant 0 : i32
    %dma_wait3A_430 = tpu.memref_slice %arg7[%mul3A_384, %dma_wait3A_429] : memref<1433600x8xf32, #tpu.memory_space<hbm>> -> memref<4480x8xf32, #tpu.memory_space<hbm>>
    %dma_wait3A_431 = arith.constant 0 : i32
    %dma_wait3A_432 = tpu.memref_slice %arg7[%mul3A_384, %dma_wait3A_431] : memref<1433600x8xf32, #tpu.memory_space<hbm>> -> memref<4480x8xf32, #tpu.memory_space<hbm>>
    tpu.wait_dma2 semaphore(%arg21 : memref<!tpu.dma_semaphore, #tpu.memory_space<semaphore_mem>>) src(%arg11 : memref<4480x8xf32, #tpu.memory_space<vmem>>) dst(%dma_wait3A_432 : memref<4480x8xf32, #tpu.memory_space<hbm>>)
    %dma_wait3A_433 = arith.constant 0 : i32
    %dma_wait3A_434 = tpu.memref_slice %arg6[%add3A_390, %dma_wait3A_433] : memref<204800x8xf32, #tpu.memory_space<hbm>> -> memref<640x8xf32, #tpu.memory_space<hbm>>
    %dma_wait3A_435 = arith.constant 0 : i32
    %dma_wait3A_436 = tpu.memref_slice %arg6[%add3A_390, %dma_wait3A_435] : memref<204800x8xf32, #tpu.memory_space<hbm>> -> memref<640x8xf32, #tpu.memory_space<hbm>>
    tpu.wait_dma2 semaphore(%arg26 : memref<!tpu.dma_semaphore, #tpu.memory_space<semaphore_mem>>) src(%arg14 : memref<640x8xf32, #tpu.memory_space<vmem>>) dst(%dma_wait3A_436 : memref<640x8xf32, #tpu.memory_space<hbm>>)
    %dma_wait3A_437 = arith.constant 0 : i32
    %dma_wait3A_438 = tpu.memref_slice %arg7[%mul3A_420, %dma_wait3A_437] : memref<1433600x8xf32, #tpu.memory_space<hbm>> -> memref<4480x8xf32, #tpu.memory_space<hbm>>
    %dma_wait3A_439 = arith.constant 0 : i32
    %dma_wait3A_440 = tpu.memref_slice %arg7[%mul3A_420, %dma_wait3A_439] : memref<1433600x8xf32, #tpu.memory_space<hbm>> -> memref<4480x8xf32, #tpu.memory_space<hbm>>
    tpu.wait_dma2 semaphore(%arg27 : memref<!tpu.dma_semaphore, #tpu.memory_space<semaphore_mem>>) src(%arg15 : memref<4480x8xf32, #tpu.memory_space<vmem>>) dst(%dma_wait3A_440 : memref<4480x8xf32, #tpu.memory_space<hbm>>)
    return
  }
}

module attributes {stable_mosaic.version = 14 : i64} {
  func.func @_tc_body(%arg0: i32, %arg1: memref<1600x8xf32, #tpu.memory_space<vmem>>, %arg2: memref<1600x56xf32, #tpu.memory_space<vmem>>, %arg3: memref<1600x5xf32, #tpu.memory_space<vmem>>, %arg4: memref<8x128xf32, #tpu.memory_space<vmem>>, %arg5: memref<56x128xf32, #tpu.memory_space<vmem>>, %arg6: memref<5x128xf32, #tpu.memory_space<vmem>>, %arg7: memref<1x128xf32, #tpu.memory_space<vmem>>, %arg8: memref<8x128xf32, #tpu.memory_space<vmem>>, %arg9: memref<56x128xf32, #tpu.memory_space<vmem>>, %arg10: memref<5x128xf32, #tpu.memory_space<vmem>>, %arg11: memref<1x128xf32, #tpu.memory_space<vmem>>, %arg12: memref<1x128xf32, #tpu.memory_space<vmem>>, %arg13: memref<1x128xf32, #tpu.memory_space<vmem>>, %arg14: memref<32x50x128xf32, #tpu.memory_space<vmem>>) attributes {dimension_semantics = [#tpu.dimension_semantics<arbitrary>], iteration_bounds = array<i64: 128>, scalar_prefetch = 0 : i64, scratch_operands = 0 : i64, tpu.core_type = #tpu.core_type<tc>, window_params = [{transform_indices = @transform_0, window_bounds = array<i64: 1600, 8>}, {transform_indices = @transform_1, window_bounds = array<i64: 1600, 56>}, {transform_indices = @transform_2, window_bounds = array<i64: 1600, 5>}, {pipeline_mode = #tpu.pipeline_mode<synchronous>, transform_indices = @transform_3, window_bounds = array<i64: 8, 128>}, {pipeline_mode = #tpu.pipeline_mode<synchronous>, transform_indices = @transform_4, window_bounds = array<i64: 56, 128>}, {pipeline_mode = #tpu.pipeline_mode<synchronous>, transform_indices = @transform_5, window_bounds = array<i64: 5, 128>}, {pipeline_mode = #tpu.pipeline_mode<synchronous>, transform_indices = @transform_6, window_bounds = array<i64: 1, 128>}, {pipeline_mode = #tpu.pipeline_mode<synchronous>, transform_indices = @transform_7, window_bounds = array<i64: 8, 128>}, {pipeline_mode = #tpu.pipeline_mode<synchronous>, transform_indices = @transform_8, window_bounds = array<i64: 56, 128>}, {pipeline_mode = #tpu.pipeline_mode<synchronous>, transform_indices = @transform_9, window_bounds = array<i64: 5, 128>}, {pipeline_mode = #tpu.pipeline_mode<synchronous>, transform_indices = @transform_10, window_bounds = array<i64: 1, 128>}, {pipeline_mode = #tpu.pipeline_mode<synchronous>, transform_indices = @transform_11, window_bounds = array<i64: 1, 128>}, {pipeline_mode = #tpu.pipeline_mode<synchronous>, transform_indices = @transform_12, window_bounds = array<i64: 1, 128>}, {transform_indices = @transform_13, window_bounds = array<i64: 32, 50, 128>}]} {
    %get3A = arith.constant 0 : index
    %get3A_0 = arith.constant 0 : index
    %get3A_1 = vector.load %arg1[%get3A, %get3A_0] : memref<1600x8xf32, #tpu.memory_space<vmem>>, vector<1600x8xf32>
    %get3A_2 = arith.constant 0 : index
    %get3A_3 = arith.constant 0 : index
    %get3A_4 = vector.load %arg2[%get3A_2, %get3A_3] : memref<1600x56xf32, #tpu.memory_space<vmem>>, vector<1600x56xf32>
    %get3A_5 = arith.constant 0 : index
    %get3A_6 = arith.constant 0 : index
    %get3A_7 = vector.load %arg3[%get3A_5, %get3A_6] : memref<1600x5xf32, #tpu.memory_space<vmem>>, vector<1600x5xf32>
    %get3A_8 = arith.constant 0 : index
    %get3A_9 = arith.constant 0 : index
    %get3A_10 = vector.load %arg4[%get3A_8, %get3A_9] : memref<8x128xf32, #tpu.memory_space<vmem>>, vector<8x128xf32>
    %dot_general3A = arith.constant dense<0.000000e+00> : vector<1600x128xf32>
    %dot_general3A_11 = tpu.matmul %get3A_1, %get3A_10, %dot_general3A {dimension_numbers = #tpu.dot_dimension_numbers<[1], [0], [0], [1], [0, 0, 1, 1], [], []>, transpose_lhs_hint = false} : vector<1600x8xf32>, vector<8x128xf32>, vector<1600x128xf32> -> vector<1600x128xf32>
    %get3A_12 = arith.constant 0 : index
    %get3A_13 = arith.constant 0 : index
    %get3A_14 = vector.load %arg5[%get3A_12, %get3A_13] : memref<56x128xf32, #tpu.memory_space<vmem>>, vector<56x128xf32>
    %dot_general3A_15 = arith.constant dense<0.000000e+00> : vector<1600x128xf32>
    %dot_general3A_16 = tpu.matmul %get3A_4, %get3A_14, %dot_general3A_15 {dimension_numbers = #tpu.dot_dimension_numbers<[1], [0], [0], [1], [0, 0, 1, 1], [], []>, transpose_lhs_hint = false} : vector<1600x56xf32>, vector<56x128xf32>, vector<1600x128xf32> -> vector<1600x128xf32>
    %add3A = arith.addf %dot_general3A_11, %dot_general3A_16 : vector<1600x128xf32>
    %get3A_17 = arith.constant 0 : index
    %get3A_18 = arith.constant 0 : index
    %get3A_19 = vector.load %arg6[%get3A_17, %get3A_18] : memref<5x128xf32, #tpu.memory_space<vmem>>, vector<5x128xf32>
    %dot_general3A_20 = arith.constant dense<0.000000e+00> : vector<1600x128xf32>
    %dot_general3A_21 = tpu.matmul %get3A_7, %get3A_19, %dot_general3A_20 {dimension_numbers = #tpu.dot_dimension_numbers<[1], [0], [0], [1], [0, 0, 1, 1], [], []>, transpose_lhs_hint = false} : vector<1600x5xf32>, vector<5x128xf32>, vector<1600x128xf32> -> vector<1600x128xf32>
    %add3A_22 = arith.addf %add3A, %dot_general3A_21 : vector<1600x128xf32>
    %get3A_23 = arith.constant 0 : index
    %get3A_24 = arith.constant 0 : index
    %get3A_25 = vector.load %arg7[%get3A_23, %get3A_24] : memref<1x128xf32, #tpu.memory_space<vmem>>, vector<1x128xf32>
    %add3A_26 = vector.broadcast %get3A_25 : vector<1x128xf32> to vector<1600x128xf32>
    %add3A_27 = arith.addf %add3A_22, %add3A_26 : vector<1600x128xf32>
    %logistic3A = arith.negf %add3A_27 : vector<1600x128xf32>
    %logistic3A_28 = math.exp %logistic3A : vector<1600x128xf32>
    %logistic3A_29 = arith.constant 1.000000e+00 : f32
    %logistic3A_30 = vector.broadcast %logistic3A_29 : f32 to vector<1600x128xf32>
    %logistic3A_31 = arith.addf %logistic3A_30, %logistic3A_28 : vector<1600x128xf32>
    %logistic3A_32 = arith.divf %logistic3A_30, %logistic3A_31 : vector<1600x128xf32>
    %get3A_33 = arith.constant 0 : index
    %get3A_34 = arith.constant 0 : index
    %get3A_35 = vector.load %arg8[%get3A_33, %get3A_34] : memref<8x128xf32, #tpu.memory_space<vmem>>, vector<8x128xf32>
    %dot_general3A_36 = arith.constant dense<0.000000e+00> : vector<1600x128xf32>
    %dot_general3A_37 = tpu.matmul %get3A_1, %get3A_35, %dot_general3A_36 {dimension_numbers = #tpu.dot_dimension_numbers<[1], [0], [0], [1], [0, 0, 1, 1], [], []>, transpose_lhs_hint = false} : vector<1600x8xf32>, vector<8x128xf32>, vector<1600x128xf32> -> vector<1600x128xf32>
    %get3A_38 = arith.constant 0 : index
    %get3A_39 = arith.constant 0 : index
    %get3A_40 = vector.load %arg9[%get3A_38, %get3A_39] : memref<56x128xf32, #tpu.memory_space<vmem>>, vector<56x128xf32>
    %dot_general3A_41 = arith.constant dense<0.000000e+00> : vector<1600x128xf32>
    %dot_general3A_42 = tpu.matmul %get3A_4, %get3A_40, %dot_general3A_41 {dimension_numbers = #tpu.dot_dimension_numbers<[1], [0], [0], [1], [0, 0, 1, 1], [], []>, transpose_lhs_hint = false} : vector<1600x56xf32>, vector<56x128xf32>, vector<1600x128xf32> -> vector<1600x128xf32>
    %add3A_43 = arith.addf %dot_general3A_37, %dot_general3A_42 : vector<1600x128xf32>
    %get3A_44 = arith.constant 0 : index
    %get3A_45 = arith.constant 0 : index
    %get3A_46 = vector.load %arg10[%get3A_44, %get3A_45] : memref<5x128xf32, #tpu.memory_space<vmem>>, vector<5x128xf32>
    %dot_general3A_47 = arith.constant dense<0.000000e+00> : vector<1600x128xf32>
    %dot_general3A_48 = tpu.matmul %get3A_7, %get3A_46, %dot_general3A_47 {dimension_numbers = #tpu.dot_dimension_numbers<[1], [0], [0], [1], [0, 0, 1, 1], [], []>, transpose_lhs_hint = false} : vector<1600x5xf32>, vector<5x128xf32>, vector<1600x128xf32> -> vector<1600x128xf32>
    %add3A_49 = arith.addf %add3A_43, %dot_general3A_48 : vector<1600x128xf32>
    %get3A_50 = arith.constant 0 : index
    %get3A_51 = arith.constant 0 : index
    %get3A_52 = vector.load %arg11[%get3A_50, %get3A_51] : memref<1x128xf32, #tpu.memory_space<vmem>>, vector<1x128xf32>
    %add3A_53 = vector.broadcast %get3A_52 : vector<1x128xf32> to vector<1600x128xf32>
    %add3A_54 = arith.addf %add3A_49, %add3A_53 : vector<1600x128xf32>
    %mul3A = arith.mulf %logistic3A_32, %add3A_54 : vector<1600x128xf32>
    %reduce_sum3A = arith.constant dense<0.000000e+00> : vector<1600xf32>
    %reduce_sum3A_55 = vector.multi_reduction <add>, %mul3A, %reduce_sum3A [1] : vector<1600x128xf32> to vector<1600xf32>
    %broadcast_in_dim3A = vector.shape_cast %reduce_sum3A_55 : vector<1600xf32> to vector<1600x1xf32>
    %div3A = arith.constant 1.280000e+02 : f32
    %div3A_56 = vector.broadcast %div3A : f32 to vector<1600x1xf32>
    %div3A_57 = arith.divf %broadcast_in_dim3A, %div3A_56 : vector<1600x1xf32>
    %sub3A = vector.broadcast %div3A_57 : vector<1600x1xf32> to vector<1600x128xf32>
    %sub3A_58 = arith.subf %mul3A, %sub3A : vector<1600x128xf32>
    %mul3A_59 = arith.mulf %sub3A_58, %sub3A_58 : vector<1600x128xf32>
    %reduce_sum3A_60 = arith.constant dense<0.000000e+00> : vector<1600xf32>
    %reduce_sum3A_61 = vector.multi_reduction <add>, %mul3A_59, %reduce_sum3A_60 [1] : vector<1600x128xf32> to vector<1600xf32>
    %broadcast_in_dim3A_62 = vector.shape_cast %reduce_sum3A_61 : vector<1600xf32> to vector<1600x1xf32>
    %div3A_63 = arith.constant 1.280000e+02 : f32
    %div3A_64 = vector.broadcast %div3A_63 : f32 to vector<1600x1xf32>
    %div3A_65 = arith.divf %broadcast_in_dim3A_62, %div3A_64 : vector<1600x1xf32>
    %add3A_66 = arith.constant 9.99999974E-6 : f32
    %add3A_67 = vector.broadcast %add3A_66 : f32 to vector<1600x1xf32>
    %add3A_68 = arith.addf %div3A_65, %add3A_67 : vector<1600x1xf32>
    %rsqrt3A = math.rsqrt %add3A_68 : vector<1600x1xf32>
    %mul3A_69 = vector.broadcast %rsqrt3A : vector<1600x1xf32> to vector<1600x128xf32>
    %mul3A_70 = arith.mulf %sub3A_58, %mul3A_69 : vector<1600x128xf32>
    %get3A_71 = arith.constant 0 : index
    %get3A_72 = arith.constant 0 : index
    %get3A_73 = vector.load %arg12[%get3A_71, %get3A_72] : memref<1x128xf32, #tpu.memory_space<vmem>>, vector<1x128xf32>
    %mul3A_74 = vector.broadcast %get3A_73 : vector<1x128xf32> to vector<1600x128xf32>
    %mul3A_75 = arith.mulf %mul3A_70, %mul3A_74 : vector<1600x128xf32>
    %get3A_76 = arith.constant 0 : index
    %get3A_77 = arith.constant 0 : index
    %get3A_78 = vector.load %arg13[%get3A_76, %get3A_77] : memref<1x128xf32, #tpu.memory_space<vmem>>, vector<1x128xf32>
    %add3A_79 = vector.broadcast %get3A_78 : vector<1x128xf32> to vector<1600x128xf32>
    %add3A_80 = arith.addf %mul3A_75, %add3A_79 : vector<1600x128xf32>
    %reshape3A = vector.shape_cast %add3A_80 : vector<1600x128xf32> to vector<32x50x128xf32>
    %swap3A = arith.constant 0 : index
    %swap3A_81 = arith.constant 0 : index
    %swap3A_82 = arith.constant 0 : index
    %swap3A_83 = vector.load %arg14[%swap3A, %swap3A_81, %swap3A_82] : memref<32x50x128xf32, #tpu.memory_space<vmem>>, vector<32x50x128xf32>
    tpu.vector_store %arg14[%swap3A, %swap3A_81, %swap3A_82], %reshape3A {strides = array<i32>} : memref<32x50x128xf32, #tpu.memory_space<vmem>>, vector<32x50x128xf32>,
    return
  }
  func.func @transform_0(%arg0: i32) -> (i32, i32) {
    %c0_i32 = arith.constant 0 : i32
    %c0_i32_0 = arith.constant 0 : i32
    return %arg0, %c0_i32 : i32, i32
  }
  func.func @transform_1(%arg0: i32) -> (i32, i32) {
    %c0_i32 = arith.constant 0 : i32
    %c0_i32_0 = arith.constant 0 : i32
    return %arg0, %c0_i32 : i32, i32
  }
  func.func @transform_2(%arg0: i32) -> (i32, i32) {
    %c0_i32 = arith.constant 0 : i32
    %c0_i32_0 = arith.constant 0 : i32
    return %arg0, %c0_i32 : i32, i32
  }
  func.func @transform_3(%arg0: i32) -> (i32, i32) {
    %c0_i32 = arith.constant 0 : i32
    %c0_i32_0 = arith.constant 0 : i32
    %c0_i32_1 = arith.constant 0 : i32
    return %c0_i32, %c0_i32_0 : i32, i32
  }
  func.func @transform_4(%arg0: i32) -> (i32, i32) {
    %c0_i32 = arith.constant 0 : i32
    %c0_i32_0 = arith.constant 0 : i32
    %c0_i32_1 = arith.constant 0 : i32
    return %c0_i32, %c0_i32_0 : i32, i32
  }
  func.func @transform_5(%arg0: i32) -> (i32, i32) {
    %c0_i32 = arith.constant 0 : i32
    %c0_i32_0 = arith.constant 0 : i32
    %c0_i32_1 = arith.constant 0 : i32
    return %c0_i32, %c0_i32_0 : i32, i32
  }
  func.func @transform_6(%arg0: i32) -> (i32, i32) {
    %c0_i32 = arith.constant 0 : i32
    %c0_i32_0 = arith.constant 0 : i32
    %c0_i32_1 = arith.constant 0 : i32
    return %c0_i32, %c0_i32_0 : i32, i32
  }
  func.func @transform_7(%arg0: i32) -> (i32, i32) {
    %c0_i32 = arith.constant 0 : i32
    %c0_i32_0 = arith.constant 0 : i32
    %c0_i32_1 = arith.constant 0 : i32
    return %c0_i32, %c0_i32_0 : i32, i32
  }
  func.func @transform_8(%arg0: i32) -> (i32, i32) {
    %c0_i32 = arith.constant 0 : i32
    %c0_i32_0 = arith.constant 0 : i32
    %c0_i32_1 = arith.constant 0 : i32
    return %c0_i32, %c0_i32_0 : i32, i32
  }
  func.func @transform_9(%arg0: i32) -> (i32, i32) {
    %c0_i32 = arith.constant 0 : i32
    %c0_i32_0 = arith.constant 0 : i32
    %c0_i32_1 = arith.constant 0 : i32
    return %c0_i32, %c0_i32_0 : i32, i32
  }
  func.func @transform_10(%arg0: i32) -> (i32, i32) {
    %c0_i32 = arith.constant 0 : i32
    %c0_i32_0 = arith.constant 0 : i32
    %c0_i32_1 = arith.constant 0 : i32
    return %c0_i32, %c0_i32_0 : i32, i32
  }
  func.func @transform_11(%arg0: i32) -> (i32, i32) {
    %c0_i32 = arith.constant 0 : i32
    %c0_i32_0 = arith.constant 0 : i32
    %c0_i32_1 = arith.constant 0 : i32
    return %c0_i32, %c0_i32_0 : i32, i32
  }
  func.func @transform_12(%arg0: i32) -> (i32, i32) {
    %c0_i32 = arith.constant 0 : i32
    %c0_i32_0 = arith.constant 0 : i32
    %c0_i32_1 = arith.constant 0 : i32
    return %c0_i32, %c0_i32_0 : i32, i32
  }
  func.func @transform_13(%arg0: i32) -> (i32, i32, i32) {
    %c0_i32 = arith.constant 0 : i32
    %c0_i32_0 = arith.constant 0 : i32
    %c0_i32_1 = arith.constant 0 : i32
    return %arg0, %c0_i32, %c0_i32_0 : i32, i32, i32
  }
}

</mosaic_0001>

<sc_bundles>
// kernel: kernel.4.cloned.1.call-start
scs
__scs_entry_jumppad:
0x0: {  	(pc) =	sbr.rel $0x88, $3  }
0x1: {  	(tag) =	ssettag $0x0;
	lr =	simm.s32 $0x1  }
0x2: {  	[smem:$0x3F88] =	sst lr;
	_ =	strace $0xD0000000  }
0x3: {  	_ = 	snop  }
0x4: {  	_ = 	snop  }
0x5: {  	_ = 	snop  }
0x6: {  	_ = 	snop  }
0x7: {  	_ = 	snop  }
__scs_overlays_trampoline_lowered:
0x8: {  	[smem:$0x3F97] =	sst s0  }
0x9: {  	[smem:$0x3F98] =	sst s1  }
0xa: {  	[smem:$0x3F99] =	sst s2  }
0xb: {  	[smem:$0x3F9A] =	sst s3  }
0xc: {  	[smem:$0x3F9B] =	sst s4  }
0xd: {  	[smem:$0x3F9C] =	sst s5  }
0xe: {  	[smem:$0x3F9D] =	sst s6  }
0xf: {  	[smem:$0x3F9E] =	sst s7  }
0x10: {  	[smem:$0x3F9F] =	sst s8  }
0x11: {  	[smem:$0x3FA0] =	sst s9;
	s0 =	simm.s32 @!p0 $0x0  }
0x12: {  	s1 =	sld [smem:$0x3F86];
	s0 =	simm.s32 @p0 $0x1  }
0x13: {  	[smem:$0x3FA1] =	sst s0;
	s0 =	simm.s32 @!p1 $0x0  }
0x14: {  	s2 =	sld [smem:$0x3F85];
	s0 =	simm.s32 @p1 $0x1  }
0x15: {  	[smem:$0x3FA2] =	sst s0;
	s0 =	simm.s32 @!p2 $0x0  }
0x16: {  	s3 =	sld [smem:$0x3FDB];
	s0 =	simm.s32 @p2 $0x1  }
0x17: {  	s4 =	simm.s32 $0x1BF5;
	[smem:$0x3FA4] =	sst s0  }
0x18: {  	s0 =	sld [smem:$0x3F87];
	_ =	swait.ge [sflag:s4], $0x0  }
0x19: {  	s7 =	sld [smem:$0x3F88]  }
0x1a: {  	s8 =	sadd.s32 $0xFFFFE003, lr  }
0x1b: {  	s9 =	sadd.s32 $0xFFFFFEF7, lr;
	s5 =	simm.s32 $0xFFFFFFFF;
	p2 =	slt.u32 s8, $0xFFFFF086  }
0x1c: {  	p1 =	slt.u32 s9, $0xF7A;
	s5 =	simm.s32 @!p2 $0x0  }
0x1d: {  	s5 =	simm.s32 @p1 $0x1;
	p0 =	seq.s32 s7, s2  }
0x1e: {  	s7 =	smul.u32 @!p0 $0xF7A, s2;
	p2 =	seq.s32 @!p0 s5, $0x0  }
0x1f: {  	s9 =	smul.u32 $0xF7A, s1;
	s8 =	simm.s32 @!p0 $0x1BF5;
	p2 =	por !p2, p0  }
0x20: {  	[sflag:s8] =	ssyncset.s32 @!p0 $0xFFFFF086;
	s6 =	sadd.s32 @!p0 s3, s7;
	s7 =	simm.s32 @!p0 $0x108  }
0x21: {  	s3 =	sadd.s32 s3, s9;
	s6 =	sadd.s32 @!p0 $0x88, s6;
	s7 =	simm.s32 @p2 $0x1082  }
0x22: {  	[simem:s7], [sflag:s8] =	dma.local @!p0 [hbm:s6], $0xF7A  }
0x23: {  	s9 =	sor.u32 $0xD0000000, s2;
	s6 =	simm.s32 $0x108;
	_ =	swait.ge @!p0 [sflag:s8], $0x0  }
0x24: {  	s3 =	sadd.s32 $0x88, s3;
	s6 =	simm.s32 @!p1 $0x1082;
	[sflag:s4] =	ssyncset.s32 $0xFFFFF086  }
0x25: {  	[simem:s6], [sflag:s4] =	dma.local [hbm:s3], $0xF7A  }
0x26: {  	[smem:$0x3F88] =	sst s1;
	(tag) =	ssettag s2;
	_ =	strace s9  }
0x27: {  	s1 =	sld [smem:$0x3F98]  }
0x28: {  	s2 =	sld [smem:$0x3F99]  }
0x29: {  	s4 =	sld [smem:$0x3F9B]  }
0x2a: {  	p0 =	seq.s32 s5, $0x0;
	s5 =	sld [smem:$0x3F9C]  }
0x2b: {  	s6 =	sld [smem:$0x3F9D]  }
0x2c: {  	s7 =	sld [smem:$0x3F9E]  }
0x2d: {  	s3 =	simm.s32 $0x108;
	s8 =	sld [smem:$0x3F9F]  }
0x2e: {  	s3 =	simm.s32 @!p0 $0x1082;
	s9 =	sld [smem:$0x3FA0]  }
0x2f: {  	lr =	sadd.s32 s0, s3;
	s0 =	sld [smem:$0x3F97]  }
0x30: {  	s3 =	sld [smem:$0x3F9A]  }
0x31: {  	[smem:$0x3FA3] =	sst s10  }
0x32: {  	s10 =	sld [smem:$0x3FA1];
	_ =	sdelay $0x3  }
0x33: {  	p0 =	seq.s32 s10, $0x1;
	s10 =	sld [smem:$0x3FA3];
	_ =	sdelay $0x3  }
0x34: {  	[smem:$0x3FA3] =	sst s10  }
0x35: {  	s10 =	sld [smem:$0x3FA2];
	_ =	sdelay $0x3  }
0x36: {  	p1 =	seq.s32 s10, $0x1;
	s10 =	sld [smem:$0x3FA3];
	_ =	sdelay $0x3  }
0x37: {  	[smem:$0x3FA3] =	sst s10  }
0x38: {  	s10 =	sld [smem:$0x3FA4]  }
0x39: {  	_ = 	snop;
	(pc) =	sbr.ind lr, $3  }
0x3a: {  	_ = 	snop  }
0x3b: {  	_ = 	snop  }
0x3c: {  	p2 =	seq.s32 s10, $0x1;
	s10 =	sld [smem:$0x3FA3]  }
0x3d: {  	_ =	shalt  }
0x3e: {  	_ =	shalt  }
0x3f: {  	_ =	shalt  }
0x40: {  	_ =	shalt  }
0x41: {  	_ =	shalt  }
0x42: {  	_ =	shalt  }
0x43: {  	_ =	shalt  }
0x44: {  	_ =	shalt  }
0x45: {  	_ =	shalt  }
0x46: {  	_ =	shalt  }
0x47: {  	_ =	shalt  }
0x48: {  	_ =	shalt  }
0x49: {  	_ =	shalt  }
0x4a: {  	_ =	shalt  }
0x4b: {  	_ =	shalt  }
0x4c: {  	_ =	shalt  }
0x4d: {  	_ =	shalt  }
0x4e: {  	_ =	shalt  }
0x4f: {  	_ =	shalt  }
0x50: {  	_ =	shalt  }
0x51: {  	_ =	shalt  }
0x52: {  	_ =	shalt  }
0x53: {  	_ =	shalt  }
0x54: {  	_ =	shalt  }
0x55: {  	_ =	shalt  }
0x56: {  	_ =	shalt  }
0x57: {  	_ =	shalt  }
0x58: {  	_ =	shalt  }
0x59: {  	_ =	shalt  }
0x5a: {  	_ =	shalt  }
0x5b: {  	_ =	shalt  }
0x5c: {  	_ =	shalt  }
0x5d: {  	_ =	shalt  }
0x5e: {  	_ =	shalt  }
0x5f: {  	_ =	shalt  }
0x60: {  	_ =	shalt  }
0x61: {  	_ =	shalt  }
0x62: {  	_ =	shalt  }
0x63: {  	_ =	shalt  }
0x64: {  	_ =	shalt  }
0x65: {  	_ =	shalt  }
0x66: {  	_ =	shalt  }
0x67: {  	_ =	shalt  }
0x68: {  	_ =	shalt  }
0x69: {  	_ =	shalt  }
0x6a: {  	_ =	shalt  }
0x6b: {  	_ =	shalt  }
0x6c: {  	_ =	shalt  }
0x6d: {  	_ =	shalt  }
0x6e: {  	_ =	shalt  }
0x6f: {  	_ =	shalt  }
0x70: {  	_ =	shalt  }
0x71: {  	_ =	shalt  }
0x72: {  	_ =	shalt  }
0x73: {  	_ =	shalt  }
0x74: {  	_ =	shalt  }
0x75: {  	_ =	shalt  }
0x76: {  	_ =	shalt  }
0x77: {  	_ =	shalt  }
0x78: {  	_ =	shalt  }
0x79: {  	_ =	shalt  }
0x7a: {  	_ =	shalt  }
0x7b: {  	_ =	shalt  }
0x7c: {  	_ =	shalt  }
0x7d: {  	_ =	shalt  }
0x7e: {  	_ =	shalt  }
0x7f: {  	_ =	shalt  }
0x80: {  	_ =	shalt  }
0x81: {  	_ =	shalt  }
0x82: {  	_ =	shalt  }
0x83: {  	_ =	shalt  }
0x84: {  	_ =	shalt  }
0x85: {  	_ =	shalt  }
0x86: {  	_ =	shalt  }
0x87: {  	_ =	shalt  }
.Lfunc_end0:
.L_simem_size_0:
called_computation_lowered:
.L_overlay_start_0:
0x88: {  	s2 =	sld [smem:$0x3FD9]  }
0x89: {  	s3 =	sld [smem:$0x3FFE];
	_ =	sdelay $0x1  }
0x8a: {  	s1 =	srdreg.scid  }
0x8b: {  	s0 =	sand.u32 $0x1, s1  }
0x8c: {  	s17 =	sshll.u32 s0, $0xA;
	s2 =	sadd.s32 s3, s2  }
0x8d: {  	s2 =	sadd.s32 s2, s17  }
0x8e: {  	[smem:$0x3FAF] =	sst s2  }
0x8f: {  	_ = 	snop  }
0x90: {  	s2 =	sld [smem:$0x3FD0];
	(tm) =	ssettm $0x1  }
0x91: {  	s18 =	sld [smem:$0x3FFB];
	_ =	sdelay $0x3  }
0x92: {  	_ =	strace s18  }
0x93: {  	s3 =	sld [smem:$0x3FFC];
	_ =	sdelay $0x3  }
0x94: {  	_ =	strace s3  }
0x95: {  	s3 =	sld [smem:$0x3FFD];
	_ =	sdelay $0x3  }
0x96: {  	_ =	strace s3  }
0x97: {  	_ =	strace $0x8FFFFFFF  }
0x98: {  	s19 =	sld [smem:$0x3FDB];
	_ =	sdelay $0x1  }
0x99: {  	s4 =	simm.s32 $_scs_section_size  }
0x9a: {  	s5 =	simm.s32 $_size__tile_overlayer_lowered;
	s6 =	simm.s32 $_tile_overlayer_lowered  }
0x9b: {  	s22 =	simm.s32 $0x1BFF;
	s21 =	sshll.u32 s6, $0x1;
	s3 =	sadd.s32 s4, s19  }
0x9c: {  	s7 =	simm.s32 $0x0;
	s20 =	sshll.u32 s5, $0x1;
	s5 =	sadd.s32 s21, s3  }
0x9d: {  	[timem:s7], [sflag:s22] =	dma.local [hbm:s5], s20  }
0x9e: {  	_ =	swait.ge [sflag:s22], s20  }
0x9f: {  	s4 =	ssub.s32 $0x0, s20;
	[sflag:s22] =	ssyncset.done $0x0  }
0xa0: {  	[sflag:s22] =	ssyncadd.s32 s4;
	_ =	sdelay $0x1  }
0xa1: {  	s23 =	simm.s32 $0x1B8B  }
0xa2: {  	_ =	swait.ge [sflag:s23], $0x1  }
0xa3: {  	[sflag:s23] =	ssyncset.done $0x0  }
0xa4: {  	s25 =	simm.s32 $0x1B8E;
	s24 =	sld [smem:$0x3FFE];
	[sflag:s23] =	ssyncadd.s32 $0xFFFFFFFF  }
0xa5: {  	s26 =	simm.s32 $execute0_lowered;
	[smem:$0x3FD2] =	sst s25  }
0xa6: {  	s5 =	sshll.u32 s26, $0x1;
	_ =	strace $0x80000046;
	[dreg:$0x1] =	wrdreg $0xFFFFFFFF  }
0xa7: {  	s28 =	simm.s32 $_size_execute0_lowered;
	s3 =	sadd.s32 s3, s5;
	[dreg:$0x0] =	wrdreg $0x0  }
0xa8: {  	s5 =	sshll.u32 s28, $0x1;
	[dreg:$0x2] =	wrdreg s3  }
0xa9: {  	[dreg:$0x3] =	wrdreg s5  }
0xaa: {  	[dreg:$0x4] =	wrdreg $0xC0  }
0xab: {  	_ =	task [dreg:s7], $0x5FFFF  }
0xac: {  	[dreg:$0x1] =	wrdreg $0xFFFFFFFF  }
0xad: {  	[dreg:$0x0] =	wrdreg $0x60  }
0xae: {  	[dreg:$0x2] =	wrdreg s24  }
0xaf: {  	[dreg:$0x3] =	wrdreg s2  }
0xb0: {  	[dreg:$0x4] =	wrdreg $0x9  }
0xb1: {  	_ =	task.clear_ibuf [dreg:s7], $0x5FFFF;
	_ =	strace $0x90000046  }
0xb2: {  	s29 =	simm.s32 $0x9;
	_ =	strace $0x80000048  }
0xb3: {  	_ =	swait.ge [sflag:s29], $0x1  }
0xb4: {  	[sflag:s29] =	ssyncadd.s32 $0xFFFFFFFF  }
0xb5: {  	_ =	strace $0x90000048  }
0xb6: {  	_ =	sfence  }
0xb7: {  	s30 =	sld [smem:$0x0];
	_ =	sdelay $0x2  }
0xb8: {  	s31 =	sshll.u32 s1, $0xD;
	s1 =	sshrl.u32 s1, $0x2  }
0xb9: {  	s3 =	sand.u32 $0x4000, s31;
	s1 =	sadd.s32 s1, s30  }
0xba: {  	s0 =	sor.u32 s3, s0;
	s1 =	sshll.u32 s1, $0x11  }
0xbb: {  	s0 =	sor.u32 s1, s0  }
0xbc: {  	s0 =	sadd.s32 $0x8F2B, s0  }
0xbd: {  	[sflag:s0] =	ssyncadd.remote.s32 $0x1  }
0xbe: {  	_ =	sfence.sel $0xFFFF  }
0xbf: {  	[dreg:$0x0] =	wrdreg $0xFFFFFFFF;
	(pc) =	sbr.abs _section_cstart, $3  }
0xc0: {  	[dreg:$0x1] =	wrdreg $0xFFFFFFFF  }
0xc1: {  	_ =	task.clear_ibuf [dreg:s7], $0x2FFFF;
	_ =	strace $0x9FFFFFFF  }
0xc2: {  	(tm) =	ssettm $0x7FFFFFFF  }
0xc3: {  	_ =	shalt  }
tec
execute0_lowered:
.L_overlay_start_1:
0x0: {  	(tag) =	ssettag $0x1  }
0x1: {  	s0 =	srdreg.scid;
	s4 =	rddreg [dreg:$0x0]  }
0x2: {  	s2 =	stileid.u32;
	s3 =	rddreg [dreg:$0x1];
	s31 =	simm.s32 $0x1  }
0x3: {  	s30 =	simm.s32 $0x2;
	s1 =	sand.u32 $0x1, s0;
	s20 =	sshll.u32 s2, $0x1  }
0x4: {  	p0 =	por $0x0, $0x0;
	s2 =	simm.s32 $0x0;
	s0 =	sor.u32 s1, s20  }
0x5: {  	s5 =	sadd.s32 $0xB1200, s4;
	[smem:$0x7FF] =	sst s2;
	s7 =	smul.u32 $0x1900, s0  }
0x6: {  	s1 =	ssub.s32 $0x2, s1;
	_ =	strace $0x80000047;
	s9 =	smul.u32 $0x15E0, s0  }
0x7: {  	s6 =	sshrl.u32 s7, $0x3;
	s11 =	sadd.s32 $0x280, s7;
	s13 =	sadd.s32 $0x500, s7  }
0x8: {  	s8 =	sadd.s32 s5, s6;
	s6 =	sadd.s32 $0xB7600, s4;
	s22 =	sshrl.u32 s11, $0x3  }
0x9: {  	s12 =	smul.u32 $0x7, s11;
	[dreg:$0x3] =	wrdreg s8;
	s21 =	sadd.s32 s6, s9  }
0xa: {  	s25 =	sshrl.u32 s13, $0x3;
	s23 =	sadd.s32 s5, s22;
	[dreg:$0x4] =	wrdreg s21  }
0xb: {  	s9 =	smul.u32 $0xAF00, s0;
	s26 =	sadd.s32 s5, s25;
	[dreg:$0x5] =	wrdreg s23  }
0xc: {  	s8 =	sadd.s32 $0xE3200, s4;
	s24 =	sshrl.u32 s12, $0x3;
	[dreg:$0x7] =	wrdreg s26  }
0xd: {  	s15 =	sadd.s32 s8, s7;
	s11 =	sadd.s32 s8, s11;
	s0 =	sadd.s32 s6, s24  }
0xe: {  	s14 =	sadd.s32 $0x2300, s9;
	[dreg:$0x9] =	wrdreg s15;
	s17 =	sadd.s32 $0x3480, s9  }
0xf: {  	[dreg:$0xd] =	wrdreg s11;
	s11 =	sadd.s32 $0xA00, s7;
	s24 =	sadd.s32 s8, s13  }
0x10: {  	[dreg:$0x6] =	wrdreg s0;
	s10 =	sshrl.u32 s14, $0x3;
	s0 =	sadd.s32 $0x780, s7  }
0x11: {  	s20 =	sshrl.u32 s11, $0x3;
	[dreg:$0x11] =	wrdreg s24;
	s11 =	sadd.s32 s8, s11  }
0x12: {  	s18 =	sshrl.u32 s17, $0x3;
	s10 =	sadd.s32 s6, s10;
	[dreg:$0x19] =	wrdreg s11  }
0x13: {  	s16 =	sshrl.u32 s0, $0x3;
	s19 =	sadd.s32 s6, s18;
	[dreg:$0x8] =	wrdreg s10  }
0x14: {  	s21 =	sadd.s32 s5, s20;
	s0 =	sadd.s32 s8, s0;
	[dreg:$0xc] =	wrdreg s19  }
0x15: {  	s11 =	sadd.s32 $0x1180, s7;
	s10 =	sadd.s32 $0x115200, s4;
	[dreg:$0xf] =	wrdreg s21  }
0x16: {  	s16 =	sadd.s32 s5, s16;
	[dreg:$0x15] =	wrdreg s0;
	s0 =	sadd.s32 $0xF00, s7  }
0x17: {  	s4 =	sadd.s32 $0x6200, s4;
	s28 =	sadd.s32 s8, s11;
	s15 =	sadd.s32 s10, s9  }
0x18: {  	[dreg:$0xb] =	wrdreg s16;
	s12 =	sadd.s32 s10, s12;
	s16 =	sadd.s32 $0x4600, s9  }
0x19: {  	s25 =	sadd.s32 s10, s14;
	s20 =	sadd.s32 s10, s17;
	[dreg:$0xa] =	wrdreg s15  }
0x1a: {  	s21 =	sshrl.u32 s0, $0x3;
	s17 =	sadd.s32 $0x6900, s9;
	[dreg:$0xe] =	wrdreg s12  }
0x1b: {  	s0 =	sadd.s32 s8, s0;
	s22 =	sshrl.u32 s16, $0x3;
	[dreg:$0x12] =	wrdreg s25  }
0x1c: {  	s12 =	sadd.s32 $0xC80, s7;
	s15 =	sadd.s32 $0x5780, s9;
	[dreg:$0x16] =	wrdreg s20  }
0x1d: {  	s25 =	sadd.s32 s10, s16;
	s16 =	sadd.s32 $0x7A80, s9;
	[smem:$0x7FA] =	sst s0  }
0x1e: {  	s13 =	sadd.s32 s10, s17;
	s0 =	rddreg [dreg:$0x3];
	s23 =	sadd.s32 s6, s22  }
0x1f: {  	s26 =	sshrl.u32 s12, $0x3;
	s18 =	sshrl.u32 s15, $0x3;
	s22 =	sadd.s32 s5, s21  }
0x20: {  	[dreg:$0x1a] =	wrdreg s25;
	s12 =	sadd.s32 s8, s12;
	s20 =	sadd.s32 s10, s15  }
0x21: {  	[smem:$0x7FB] =	sst s13;
	s29 =	sadd.s32 s10, s16;
	s13 =	simm.s32 $0xDC00  }
0x22: {  	s15 =	simm.s32 $0x6;
	[dreg:$0x10] =	wrdreg s23;
	s14 =	sadd.s32 s5, s26  }
0x23: {  	s19 =	sadd.s32 s6, s18;
	s23 =	sshrl.u32 s17, $0x3;
	[dreg:$0x17] =	wrdreg s22  }
0x24: {  	s26 =	sshrl.u32 s11, $0x3;
	s18 =	sshrl.u32 s16, $0x3;
	[dreg:$0x1d] =	wrdreg s12  }
0x25: {  	s12 =	sadd.s32 $0x1400, s7;
	s22 =	sadd.s32 $0x8C00, s9;
	[dreg:$0x1e] =	wrdreg s20  }
0x26: {  	s9 =	sadd.s32 $0x9D80, s9;
	s16 =	simm.s32 $0x5;
	[dreg:$0x13] =	wrdreg s14  }
0x27: {  	s11 =	simm.s32 $0xB;
	[dreg:$0x14] =	wrdreg s19;
	s24 =	sadd.s32 s6, s23  }
0x28: {  	s14 =	sadd.s32 s5, s26;
	s19 =	sadd.s32 s6, s18;
	s21 =	sshrl.u32 s12, $0x3  }
0x29: {  	s26 =	sadd.s32 $0x1680, s7;
	s17 =	sshrl.u32 s9, $0x3;
	[dreg:$0x18] =	wrdreg s24  }
0x2a: {  	s18 =	sshrl.u32 s1, $0x1;
	s7 =	simm.s32 $0x280;
	[dreg:$0x1b] =	wrdreg s14  }
0x2b: {  	[dreg:$0x1c] =	wrdreg s19;
	s23 =	sadd.s32 s5, s21;
	s24 =	sshrl.u32 s22, $0x3  }
0x2c: {  	s14 =	sshrl.u32 s26, $0x3;
	s19 =	sadd.s32 s6, s17;
	s1 =	ssub.s32 s1, s18  }
0x2d: {  	s17 =	sadd.s32 s8, s12;
	s18 =	sadd.s32 s10, s22;
	s22 =	simm.s32 $0x1400  }
0x2e: {  	s21 =	simm.s32 $0x8;
	s12 =	simm.s32 $0xC800;
	[dreg:$0x1f] =	wrdreg s23  }
0x2f: {  	s25 =	sadd.s32 s6, s24;
	s5 =	sadd.s32 s5, s14;
	s20 =	smax.u32 s1, $0x1  }
0x30: {  	[smem:$0x7FD] =	sst s19;
	s6 =	sadd.s32 s10, s9;
	p1 =	sne.s32 s20, $0x1  }
.Ltmp0:
0x31: {  	s9 =	simm.s32 $0xB680;
	s14 =	simm.s32 $0x1180;
	(pc) =	sbr.rel @!p1 .LBB2_3-.Ltmp0, $4  }
0x32: {  	s23 =	simm.s32 $0x2800;
	s24 =	simm.s32 $0x7;
	[smem:$0x7F9] =	sst s25  }
0x33: {  	s19 =	simm.s32 $0xA;
	s10 =	simm.s32 $0xC;
	[smem:$0x7FC] =	sst s5  }
0x34: {  	s5 =	sadd.s32 s8, s26;
	s8 =	simm.s32 $0xB400;
	s26 =	simm.s32 $0x3  }
0x35: {  	s25 =	simm.s32 $0x4;
	s1 =	sadd.s32 $0xFFFFFFFF, s20;
	s20 =	simm.s32 $0x9  }
0x36: {  	[smem:$0x7F7] =	sst s1  }
0x37: {  	[tilespmem:s2], [sflag:$0x1] =	stream.linear.gather [hbm4b:s0+s2], $0x280, $0x38;
	[tilespmem:$0x16800] =	vst v63  }
0x38: {  	s1 =	rddreg [dreg:$0x4]  }
0x39: {  	[tilespmem:s7], [sflag:$0x2] =	stream.linear.gather [hbm4b:s1+s2], $0x1180, $0x38;
	[tilespmem:$0x16800] =	vst v63  }
0x3a: {  	s0 =	rddreg [dreg:$0x5]  }
0x3b: {  	[tilespmem:s8], [sflag:$0x7] =	stream.linear.gather [hbm4b:s0+s2], $0x280, $0x38;
	[tilespmem:$0x16800] =	vst v63  }
0x3c: {  	s1 =	rddreg [dreg:$0x6]  }
0x3d: {  	[tilespmem:s9], [sflag:$0x8] =	stream.linear.gather [hbm4b:s1+s2], $0x1180, $0x38;
	[tilespmem:$0x16800] =	vst v63  }
0x3e: {  	_ =	swait.ge [sflag:s31], $0x280  }
0x3f: {  	[sflag:s31] =	ssyncset.done $0x0  }
0x40: {  	[sflag:s31] =	ssyncadd.s32 $0xFFFFFD80  }
0x41: {  	_ =	swait.ge [sflag:s30], $0x1180  }
0x42: {  	[sflag:s30] =	ssyncset.done $0x0  }
0x43: {  	[sflag:s30] =	ssyncadd.s32 $0xFFFFEE80  }
0x44: {  	[tilespmem:s22], [sflag:$0x3] =	stream.indirect.gather [hbm4b:s3+s7], $0x8, s2, s7, $0xb8;
	[tilespmem:$0x16800] =	vst v63  }
0x45: {  	_ = 	snop  }
0x46: {  	[tilespmem:s23], [sflag:$0x4] =	stream.indirect.gather [hbm4b:s4+s14], $0x8, s7, s14, $0xb8;
	[tilespmem:$0x16800] =	vst v63  }
0x47: {  	_ =	swait.ge [sflag:s26], $0x1400  }
0x48: {  	[sflag:s26] =	ssyncset.done $0x0  }
0x49: {  	[sflag:s26] =	ssyncadd.s32 $0xFFFFEC00  }
0x4a: {  	_ =	swait.ge [sflag:s25], $0x8C00  }
0x4b: {  	[sflag:s25] =	ssyncset.done $0x0  }
0x4c: {  	s0 =	rddreg [dreg:$0x7];
	[sflag:s25] =	ssyncadd.s32 $0xFFFF7400  }
0x4d: {  	[tilespmem:s2], [sflag:$0x1] =	stream.linear.gather [hbm4b:s0+s2], $0x280, $0x38;
	[tilespmem:$0x16800] =	vst v63  }
0x4e: {  	s1 =	rddreg [dreg:$0x8]  }
0x4f: {  	[tilespmem:s7], [sflag:$0x2] =	stream.linear.gather [hbm4b:s1+s2], $0x1180, $0x38;
	[tilespmem:$0x16800] =	vst v63  }
0x50: {  	s0 =	rddreg [dreg:$0x9]  }
0x51: {  	[hbm4b:s0+s2] =	stream.linear.scatter [tilespmem:s22], [sflag:$0x5], $0x1400, $0x38;
	[tilespmem:$0x16800] =	vst v63  }
0x52: {  	s1 =	rddreg [dreg:$0xa]  }
0x53: {  	[hbm4b:s1+s2] =	stream.linear.scatter [tilespmem:s23], [sflag:$0x6], $0x8C00, $0x38;
	[tilespmem:$0x16800] =	vst v63  }
0x54: {  	_ =	swait.ge [sflag:s24], $0x280  }
0x55: {  	[sflag:s24] =	ssyncset.done $0x0  }
0x56: {  	[sflag:s24] =	ssyncadd.s32 $0xFFFFFD80  }
0x57: {  	_ =	swait.ge [sflag:s21], $0x1180  }
0x58: {  	[sflag:s21] =	ssyncset.done $0x0  }
0x59: {  	[sflag:s21] =	ssyncadd.s32 $0xFFFFEE80  }
0x5a: {  	[tilespmem:s12], [sflag:$0x9] =	stream.indirect.gather [hbm4b:s3+s7], $0x8, s8, s7, $0xb8;
	[tilespmem:$0x16800] =	vst v63  }
0x5b: {  	_ = 	snop  }
0x5c: {  	[tilespmem:s13], [sflag:$0xA] =	stream.indirect.gather [hbm4b:s4+s14], $0x8, s9, s14, $0xb8;
	[tilespmem:$0x16800] =	vst v63  }
0x5d: {  	_ =	swait.ge [sflag:s20], $0x1400  }
0x5e: {  	[sflag:s20] =	ssyncset.done $0x0  }
0x5f: {  	[sflag:s20] =	ssyncadd.s32 $0xFFFFEC00  }
0x60: {  	_ =	swait.ge [sflag:s19], $0x8C00  }
0x61: {  	[sflag:s19] =	ssyncset.done $0x0  }
0x62: {  	s0 =	rddreg [dreg:$0xb];
	[sflag:s19] =	ssyncadd.s32 $0xFFFF7400  }
0x63: {  	[tilespmem:s8], [sflag:$0x7] =	stream.linear.gather [hbm4b:s0+s2], $0x280, $0x38;
	[tilespmem:$0x16800] =	vst v63  }
0x64: {  	s1 =	rddreg [dreg:$0xc]  }
0x65: {  	[tilespmem:s9], [sflag:$0x8] =	stream.linear.gather [hbm4b:s1+s2], $0x1180, $0x38;
	[tilespmem:$0x16800] =	vst v63  }
0x66: {  	s0 =	rddreg [dreg:$0xd]  }
0x67: {  	[hbm4b:s0+s2] =	stream.linear.scatter [tilespmem:s12], [sflag:$0xB], $0x1400, $0x38;
	[tilespmem:$0x16800] =	vst v63  }
0x68: {  	s1 =	rddreg [dreg:$0xe]  }
0x69: {  	[hbm4b:s1+s2] =	stream.linear.scatter [tilespmem:s13], [sflag:$0xC], $0x8C00, $0x38;
	[tilespmem:$0x16800] =	vst v63  }
0x6a: {  	_ =	swait.ge [sflag:s31], $0x280  }
0x6b: {  	[sflag:s31] =	ssyncset.done $0x0  }
0x6c: {  	[sflag:s31] =	ssyncadd.s32 $0xFFFFFD80  }
0x6d: {  	_ =	swait.ge [sflag:s30], $0x1180  }
0x6e: {  	[sflag:s30] =	ssyncset.done $0x0  }
0x6f: {  	[sflag:s30] =	ssyncadd.s32 $0xFFFFEE80  }
0x70: {  	_ =	swait.ge [sflag:s16], $0x1400  }
0x71: {  	[sflag:s16] =	ssyncset.done $0x0  }
0x72: {  	[sflag:s16] =	ssyncadd.s32 $0xFFFFEC00  }
0x73: {  	_ =	swait.ge [sflag:s15], $0x8C00  }
0x74: {  	[sflag:s15] =	ssyncset.done $0x0  }
0x75: {  	[sflag:s15] =	ssyncadd.s32 $0xFFFF7400  }
0x76: {  	[tilespmem:s22], [sflag:$0x3] =	stream.indirect.gather [hbm4b:s3+s7], $0x8, s2, s7, $0xb8;
	[tilespmem:$0x16800] =	vst v63  }
0x77: {  	_ = 	snop  }
0x78: {  	[tilespmem:s23], [sflag:$0x4] =	stream.indirect.gather [hbm4b:s4+s14], $0x8, s7, s14, $0xb8;
	[tilespmem:$0x16800] =	vst v63  }
0x79: {  	_ =	swait.ge [sflag:s26], $0x1400  }
0x7a: {  	[sflag:s26] =	ssyncset.done $0x0  }
0x7b: {  	[sflag:s26] =	ssyncadd.s32 $0xFFFFEC00  }
0x7c: {  	_ =	swait.ge [sflag:s25], $0x8C00  }
0x7d: {  	[sflag:s25] =	ssyncset.done $0x0  }
0x7e: {  	s0 =	rddreg [dreg:$0xf];
	[sflag:s25] =	ssyncadd.s32 $0xFFFF7400  }
0x7f: {  	[tilespmem:s2], [sflag:$0x1] =	stream.linear.gather [hbm4b:s0+s2], $0x280, $0x38;
	[tilespmem:$0x16800] =	vst v63  }
0x80: {  	s1 =	rddreg [dreg:$0x10]  }
0x81: {  	[tilespmem:s7], [sflag:$0x2] =	stream.linear.gather [hbm4b:s1+s2], $0x1180, $0x38;
	[tilespmem:$0x16800] =	vst v63  }
0x82: {  	s0 =	rddreg [dreg:$0x11]  }
0x83: {  	[hbm4b:s0+s2] =	stream.linear.scatter [tilespmem:s22], [sflag:$0x5], $0x1400, $0x38;
	[tilespmem:$0x16800] =	vst v63  }
0x84: {  	s1 =	rddreg [dreg:$0x12]  }
0x85: {  	[hbm4b:s1+s2] =	stream.linear.scatter [tilespmem:s23], [sflag:$0x6], $0x8C00, $0x38;
	[tilespmem:$0x16800] =	vst v63  }
0x86: {  	_ =	swait.ge [sflag:s24], $0x280  }
0x87: {  	[sflag:s24] =	ssyncset.done $0x0  }
0x88: {  	[sflag:s24] =	ssyncadd.s32 $0xFFFFFD80  }
0x89: {  	_ =	swait.ge [sflag:s21], $0x1180  }
0x8a: {  	[sflag:s21] =	ssyncset.done $0x0  }
0x8b: {  	[sflag:s21] =	ssyncadd.s32 $0xFFFFEE80  }
0x8c: {  	_ =	swait.ge [sflag:s11], $0x1400  }
0x8d: {  	[sflag:s11] =	ssyncset.done $0x0  }
0x8e: {  	[sflag:s11] =	ssyncadd.s32 $0xFFFFEC00  }
0x8f: {  	_ =	swait.ge [sflag:s10], $0x8C00  }
0x90: {  	[sflag:s10] =	ssyncset.done $0x0  }
0x91: {  	[sflag:s10] =	ssyncadd.s32 $0xFFFF7400  }
0x92: {  	[tilespmem:s12], [sflag:$0x9] =	stream.indirect.gather [hbm4b:s3+s7], $0x8, s8, s7, $0xb8;
	[tilespmem:$0x16800] =	vst v63  }
0x93: {  	_ = 	snop  }
0x94: {  	[tilespmem:s13], [sflag:$0xA] =	stream.indirect.gather [hbm4b:s4+s14], $0x8, s9, s14, $0xb8;
	[tilespmem:$0x16800] =	vst v63  }
0x95: {  	_ =	swait.ge [sflag:s20], $0x1400  }
0x96: {  	[sflag:s20] =	ssyncset.done $0x0  }
0x97: {  	[sflag:s20] =	ssyncadd.s32 $0xFFFFEC00  }
0x98: {  	_ =	swait.ge [sflag:s19], $0x8C00  }
0x99: {  	[sflag:s19] =	ssyncset.done $0x0  }
0x9a: {  	s0 =	rddreg [dreg:$0x13];
	[sflag:s19] =	ssyncadd.s32 $0xFFFF7400  }
0x9b: {  	[tilespmem:s8], [sflag:$0x7] =	stream.linear.gather [hbm4b:s0+s2], $0x280, $0x38;
	[tilespmem:$0x16800] =	vst v63  }
0x9c: {  	s1 =	rddreg [dreg:$0x14]  }
0x9d: {  	[tilespmem:s9], [sflag:$0x8] =	stream.linear.gather [hbm4b:s1+s2], $0x1180, $0x38;
	[tilespmem:$0x16800] =	vst v63  }
0x9e: {  	s0 =	rddreg [dreg:$0x15]  }
0x9f: {  	[hbm4b:s0+s2] =	stream.linear.scatter [tilespmem:s12], [sflag:$0xB], $0x1400, $0x38;
	[tilespmem:$0x16800] =	vst v63  }
0xa0: {  	s1 =	rddreg [dreg:$0x16]  }
0xa1: {  	[hbm4b:s1+s2] =	stream.linear.scatter [tilespmem:s13], [sflag:$0xC], $0x8C00, $0x38;
	[tilespmem:$0x16800] =	vst v63  }
0xa2: {  	_ =	swait.ge [sflag:s31], $0x280  }
0xa3: {  	[sflag:s31] =	ssyncset.done $0x0  }
0xa4: {  	[sflag:s31] =	ssyncadd.s32 $0xFFFFFD80  }
0xa5: {  	_ =	swait.ge [sflag:s30], $0x1180  }
0xa6: {  	[sflag:s30] =	ssyncset.done $0x0  }
0xa7: {  	[sflag:s30] =	ssyncadd.s32 $0xFFFFEE80  }
0xa8: {  	_ =	swait.ge [sflag:s16], $0x1400  }
0xa9: {  	[sflag:s16] =	ssyncset.done $0x0  }
0xaa: {  	[sflag:s16] =	ssyncadd.s32 $0xFFFFEC00  }
0xab: {  	_ =	swait.ge [sflag:s15], $0x8C00  }
0xac: {  	[sflag:s15] =	ssyncset.done $0x0  }
0xad: {  	[sflag:s15] =	ssyncadd.s32 $0xFFFF7400  }
0xae: {  	[tilespmem:s22], [sflag:$0x3] =	stream.indirect.gather [hbm4b:s3+s7], $0x8, s2, s7, $0xb8;
	[tilespmem:$0x16800] =	vst v63  }
0xaf: {  	_ = 	snop  }
0xb0: {  	[tilespmem:s23], [sflag:$0x4] =	stream.indirect.gather [hbm4b:s4+s14], $0x8, s7, s14, $0xb8;
	[tilespmem:$0x16800] =	vst v63  }
0xb1: {  	_ =	swait.ge [sflag:s26], $0x1400  }
0xb2: {  	[sflag:s26] =	ssyncset.done $0x0  }
0xb3: {  	[sflag:s26] =	ssyncadd.s32 $0xFFFFEC00  }
0xb4: {  	_ =	swait.ge [sflag:s25], $0x8C00  }
0xb5: {  	[sflag:s25] =	ssyncset.done $0x0  }
0xb6: {  	s0 =	rddreg [dreg:$0x17];
	[sflag:s25] =	ssyncadd.s32 $0xFFFF7400  }
0xb7: {  	[tilespmem:s2], [sflag:$0x1] =	stream.linear.gather [hbm4b:s0+s2], $0x280, $0x38;
	[tilespmem:$0x16800] =	vst v63  }
0xb8: {  	s1 =	rddreg [dreg:$0x18]  }
0xb9: {  	[tilespmem:s7], [sflag:$0x2] =	stream.linear.gather [hbm4b:s1+s2], $0x1180, $0x38;
	[tilespmem:$0x16800] =	vst v63  }
0xba: {  	s0 =	rddreg [dreg:$0x19]  }
0xbb: {  	[hbm4b:s0+s2] =	stream.linear.scatter [tilespmem:s22], [sflag:$0x5], $0x1400, $0x38;
	[tilespmem:$0x16800] =	vst v63  }
0xbc: {  	s1 =	rddreg [dreg:$0x1a]  }
0xbd: {  	[hbm4b:s1+s2] =	stream.linear.scatter [tilespmem:s23], [sflag:$0x6], $0x8C00, $0x38;
	[tilespmem:$0x16800] =	vst v63  }
0xbe: {  	_ =	swait.ge [sflag:s24], $0x280  }
0xbf: {  	[sflag:s24] =	ssyncset.done $0x0  }
0xc0: {  	[sflag:s24] =	ssyncadd.s32 $0xFFFFFD80  }
0xc1: {  	_ =	swait.ge [sflag:s21], $0x1180  }
0xc2: {  	[sflag:s21] =	ssyncset.done $0x0  }
0xc3: {  	[sflag:s21] =	ssyncadd.s32 $0xFFFFEE80  }
0xc4: {  	_ =	swait.ge [sflag:s11], $0x1400  }
0xc5: {  	[sflag:s11] =	ssyncset.done $0x0  }
0xc6: {  	[sflag:s11] =	ssyncadd.s32 $0xFFFFEC00  }
0xc7: {  	_ =	swait.ge [sflag:s10], $0x8C00  }
0xc8: {  	[sflag:s10] =	ssyncset.done $0x0  }
0xc9: {  	[sflag:s10] =	ssyncadd.s32 $0xFFFF7400  }
0xca: {  	[tilespmem:s12], [sflag:$0x9] =	stream.indirect.gather [hbm4b:s3+s7], $0x8, s8, s7, $0xb8;
	[tilespmem:$0x16800] =	vst v63  }
0xcb: {  	_ = 	snop  }
0xcc: {  	[tilespmem:s13], [sflag:$0xA] =	stream.indirect.gather [hbm4b:s4+s14], $0x8, s9, s14, $0xb8;
	[tilespmem:$0x16800] =	vst v63  }
0xcd: {  	_ =	swait.ge [sflag:s20], $0x1400  }
0xce: {  	[sflag:s20] =	ssyncset.done $0x0  }
0xcf: {  	[sflag:s20] =	ssyncadd.s32 $0xFFFFEC00  }
0xd0: {  	_ =	swait.ge [sflag:s19], $0x8C00  }
0xd1: {  	[sflag:s19] =	ssyncset.done $0x0  }
0xd2: {  	s0 =	rddreg [dreg:$0x1b];
	[sflag:s19] =	ssyncadd.s32 $0xFFFF7400  }
0xd3: {  	[tilespmem:s8], [sflag:$0x7] =	stream.linear.gather [hbm4b:s0+s2], $0x280, $0x38;
	[tilespmem:$0x16800] =	vst v63  }
0xd4: {  	s1 =	rddreg [dreg:$0x1c]  }
0xd5: {  	[tilespmem:s9], [sflag:$0x8] =	stream.linear.gather [hbm4b:s1+s2], $0x1180, $0x38;
	[tilespmem:$0x16800] =	vst v63  }
0xd6: {  	s0 =	rddreg [dreg:$0x1d]  }
0xd7: {  	[hbm4b:s0+s2] =	stream.linear.scatter [tilespmem:s12], [sflag:$0xB], $0x1400, $0x38;
	[tilespmem:$0x16800] =	vst v63  }
0xd8: {  	s1 =	rddreg [dreg:$0x1e]  }
0xd9: {  	[hbm4b:s1+s2] =	stream.linear.scatter [tilespmem:s13], [sflag:$0xC], $0x8C00, $0x38;
	[tilespmem:$0x16800] =	vst v63  }
0xda: {  	_ =	swait.ge [sflag:s31], $0x280  }
0xdb: {  	[sflag:s31] =	ssyncset.done $0x0  }
0xdc: {  	[sflag:s31] =	ssyncadd.s32 $0xFFFFFD80  }
0xdd: {  	_ =	swait.ge [sflag:s30], $0x1180  }
0xde: {  	[sflag:s30] =	ssyncset.done $0x0  }
0xdf: {  	[sflag:s30] =	ssyncadd.s32 $0xFFFFEE80  }
0xe0: {  	_ =	swait.ge [sflag:s16], $0x1400  }
0xe1: {  	[sflag:s16] =	ssyncset.done $0x0  }
0xe2: {  	[sflag:s16] =	ssyncadd.s32 $0xFFFFEC00  }
0xe3: {  	_ =	swait.ge [sflag:s15], $0x8C00  }
0xe4: {  	[sflag:s15] =	ssyncset.done $0x0  }
0xe5: {  	[sflag:s15] =	ssyncadd.s32 $0xFFFF7400  }
0xe6: {  	[tilespmem:s22], [sflag:$0x3] =	stream.indirect.gather [hbm4b:s3+s7], $0x8, s2, s7, $0xb8;
	[tilespmem:$0x16800] =	vst v63  }
0xe7: {  	_ = 	snop  }
0xe8: {  	[tilespmem:s23], [sflag:$0x4] =	stream.indirect.gather [hbm4b:s4+s14], $0x8, s7, s14, $0xb8;
	[tilespmem:$0x16800] =	vst v63  }
0xe9: {  	_ =	swait.ge [sflag:s26], $0x1400  }
0xea: {  	[sflag:s26] =	ssyncset.done $0x0  }
0xeb: {  	[sflag:s26] =	ssyncadd.s32 $0xFFFFEC00  }
0xec: {  	_ =	swait.ge [sflag:s25], $0x8C00  }
0xed: {  	s0 =	rddreg [dreg:$0x1f];
	[sflag:s25] =	ssyncset.done $0x0  }
0xee: {  	s1 =	sld [smem:$0x7F9];
	[sflag:s25] =	ssyncadd.s32 $0xFFFF7400  }
0xef: {  	[tilespmem:s2], [sflag:$0x1] =	stream.linear.gather [hbm4b:s0+s2], $0x280, $0x38;
	[tilespmem:$0x16800] =	vst v63  }
0xf0: {  	s0 =	sld [smem:$0x7FA]  }
0xf1: {  	[tilespmem:s7], [sflag:$0x2] =	stream.linear.gather [hbm4b:s1+s2], $0x1180, $0x38;
	[tilespmem:$0x16800] =	vst v63  }
0xf2: {  	s1 =	sld [smem:$0x7FB]  }
0xf3: {  	[hbm4b:s0+s2] =	stream.linear.scatter [tilespmem:s22], [sflag:$0x5], $0x1400, $0x38;
	[tilespmem:$0x16800] =	vst v63  }
0xf4: {  	_ = 	snop  }
0xf5: {  	[hbm4b:s1+s2] =	stream.linear.scatter [tilespmem:s23], [sflag:$0x6], $0x8C00, $0x38;
	[tilespmem:$0x16800] =	vst v63  }
0xf6: {  	_ =	swait.ge [sflag:s24], $0x280  }
0xf7: {  	[sflag:s24] =	ssyncset.done $0x0  }
0xf8: {  	[sflag:s24] =	ssyncadd.s32 $0xFFFFFD80  }
0xf9: {  	_ =	swait.ge [sflag:s21], $0x1180  }
0xfa: {  	[sflag:s21] =	ssyncset.done $0x0  }
0xfb: {  	[sflag:s21] =	ssyncadd.s32 $0xFFFFEE80  }
0xfc: {  	_ =	swait.ge [sflag:s11], $0x1400  }
0xfd: {  	[sflag:s11] =	ssyncset.done $0x0  }
0xfe: {  	[sflag:s11] =	ssyncadd.s32 $0xFFFFEC00  }
0xff: {  	_ =	swait.ge [sflag:s10], $0x8C00  }
0x100: {  	[sflag:s10] =	ssyncset.done $0x0  }
0x101: {  	[sflag:s10] =	ssyncadd.s32 $0xFFFF7400  }
0x102: {  	[tilespmem:s12], [sflag:$0x9] =	stream.indirect.gather [hbm4b:s3+s7], $0x8, s8, s7, $0xb8;
	[tilespmem:$0x16800] =	vst v63  }
0x103: {  	_ = 	snop  }
0x104: {  	[tilespmem:s13], [sflag:$0xA] =	stream.indirect.gather [hbm4b:s4+s14], $0x8, s9, s14, $0xb8;
	[tilespmem:$0x16800] =	vst v63  }
0x105: {  	_ =	swait.ge [sflag:s20], $0x1400  }
0x106: {  	[sflag:s20] =	ssyncset.done $0x0  }
0x107: {  	[sflag:s20] =	ssyncadd.s32 $0xFFFFEC00  }
0x108: {  	_ =	swait.ge [sflag:s19], $0x8C00  }
0x109: {  	s0 =	sld [smem:$0x7FC]  }
0x10a: {  	[sflag:s19] =	ssyncset.done $0x0  }
0x10b: {  	s1 =	sld [smem:$0x7FD];
	[sflag:s19] =	ssyncadd.s32 $0xFFFF7400  }
0x10c: {  	[tilespmem:s8], [sflag:$0x7] =	stream.linear.gather [hbm4b:s0+s2], $0x280, $0x38;
	[tilespmem:$0x16800] =	vst v63  }
0x10d: {  	_ = 	snop  }
0x10e: {  	[tilespmem:s9], [sflag:$0x8] =	stream.linear.gather [hbm4b:s1+s2], $0x1180, $0x38;
	[tilespmem:$0x16800] =	vst v63  }
0x10f: {  	_ = 	snop  }
0x110: {  	[hbm4b:s28+s2] =	stream.linear.scatter [tilespmem:s12], [sflag:$0xB], $0x1400, $0x38;
	[tilespmem:$0x16800] =	vst v63  }
0x111: {  	_ = 	snop  }
0x112: {  	[hbm4b:s29+s2] =	stream.linear.scatter [tilespmem:s13], [sflag:$0xC], $0x8C00, $0x38;
	[tilespmem:$0x16800] =	vst v63  }
0x113: {  	_ =	swait.ge [sflag:s31], $0x280  }
0x114: {  	[sflag:s31] =	ssyncset.done $0x0  }
0x115: {  	[sflag:s31] =	ssyncadd.s32 $0xFFFFFD80  }
0x116: {  	_ =	swait.ge [sflag:s30], $0x1180  }
0x117: {  	[sflag:s30] =	ssyncset.done $0x0  }
0x118: {  	[sflag:s30] =	ssyncadd.s32 $0xFFFFEE80  }
0x119: {  	_ =	swait.ge [sflag:s16], $0x1400  }
0x11a: {  	[sflag:s16] =	ssyncset.done $0x0  }
0x11b: {  	[sflag:s16] =	ssyncadd.s32 $0xFFFFEC00  }
0x11c: {  	_ =	swait.ge [sflag:s15], $0x8C00  }
0x11d: {  	[sflag:s15] =	ssyncset.done $0x0  }
0x11e: {  	[sflag:s15] =	ssyncadd.s32 $0xFFFF7400  }
0x11f: {  	[tilespmem:s22], [sflag:$0x3] =	stream.indirect.gather [hbm4b:s3+s7], $0x8, s2, s7, $0xb8;
	[tilespmem:$0x16800] =	vst v63  }
0x120: {  	_ = 	snop  }
0x121: {  	[tilespmem:s23], [sflag:$0x4] =	stream.indirect.gather [hbm4b:s4+s14], $0x8, s7, s14, $0xb8;
	[tilespmem:$0x16800] =	vst v63  }
0x122: {  	_ =	swait.ge [sflag:s26], $0x1400  }
0x123: {  	[sflag:s26] =	ssyncset.done $0x0  }
0x124: {  	[sflag:s26] =	ssyncadd.s32 $0xFFFFEC00  }
0x125: {  	_ =	swait.ge [sflag:s25], $0x8C00  }
0x126: {  	[sflag:s25] =	ssyncset.done $0x0  }
0x127: {  	[sflag:s25] =	ssyncadd.s32 $0xFFFF7400  }
0x128: {  	[hbm4b:s17+s2] =	stream.linear.scatter [tilespmem:s22], [sflag:$0x5], $0x1400, $0x38;
	[tilespmem:$0x16800] =	vst v63  }
0x129: {  	_ = 	snop  }
0x12a: {  	[hbm4b:s18+s2] =	stream.linear.scatter [tilespmem:s23], [sflag:$0x6], $0x8C00, $0x38;
	[tilespmem:$0x16800] =	vst v63  }
0x12b: {  	_ =	swait.ge [sflag:s24], $0x280  }
0x12c: {  	[sflag:s24] =	ssyncset.done $0x0  }
0x12d: {  	[sflag:s24] =	ssyncadd.s32 $0xFFFFFD80  }
0x12e: {  	_ =	swait.ge [sflag:s21], $0x1180  }
0x12f: {  	[sflag:s21] =	ssyncset.done $0x0  }
0x130: {  	[sflag:s21] =	ssyncadd.s32 $0xFFFFEE80  }
0x131: {  	_ =	swait.ge [sflag:s11], $0x1400  }
0x132: {  	[sflag:s11] =	ssyncset.done $0x0  }
0x133: {  	[sflag:s11] =	ssyncadd.s32 $0xFFFFEC00  }
0x134: {  	_ =	swait.ge [sflag:s10], $0x8C00  }
0x135: {  	[sflag:s10] =	ssyncset.done $0x0  }
0x136: {  	[sflag:s10] =	ssyncadd.s32 $0xFFFF7400  }
0x137: {  	[tilespmem:s12], [sflag:$0x9] =	stream.indirect.gather [hbm4b:s3+s7], $0x8, s8, s7, $0xb8;
	[tilespmem:$0x16800] =	vst v63  }
0x138: {  	_ = 	snop  }
0x139: {  	[tilespmem:s13], [sflag:$0xA] =	stream.indirect.gather [hbm4b:s4+s14], $0x8, s9, s14, $0xb8;
	[tilespmem:$0x16800] =	vst v63  }
0x13a: {  	_ =	swait.ge [sflag:s20], $0x1400  }
0x13b: {  	[sflag:s20] =	ssyncset.done $0x0  }
0x13c: {  	[sflag:s20] =	ssyncadd.s32 $0xFFFFEC00  }
0x13d: {  	_ =	swait.ge [sflag:s19], $0x8C00  }
0x13e: {  	[sflag:s19] =	ssyncset.done $0x0  }
0x13f: {  	[sflag:s19] =	ssyncadd.s32 $0xFFFF7400  }
0x140: {  	[hbm4b:s5+s2] =	stream.linear.scatter [tilespmem:s12], [sflag:$0xB], $0x1400, $0x38;
	[tilespmem:$0x16800] =	vst v63  }
0x141: {  	_ = 	snop  }
0x142: {  	[hbm4b:s6+s2] =	stream.linear.scatter [tilespmem:s13], [sflag:$0xC], $0x8C00, $0x38;
	[tilespmem:$0x16800] =	vst v63  }
0x143: {  	_ =	swait.ge [sflag:s16], $0x1400  }
0x144: {  	[sflag:s16] =	ssyncset.done $0x0  }
0x145: {  	[sflag:s16] =	ssyncadd.s32 $0xFFFFEC00  }
0x146: {  	_ =	swait.ge [sflag:s15], $0x8C00  }
0x147: {  	[sflag:s15] =	ssyncset.done $0x0  }
0x148: {  	[sflag:s15] =	ssyncadd.s32 $0xFFFF7400  }
0x149: {  	_ =	swait.ge [sflag:s11], $0x1400  }
0x14a: {  	s1 =	sld [smem:$0x7F7];
	_ =	sdelay $0x2  }
0x14b: {  	p1 =	sne.s32 s1, $0x1  }
.Ltmp1:
0x14c: {  	[sflag:s11] =	ssyncset.done $0x0;
	(pc) =	sbr.rel @!p1 .LBB2_3-.Ltmp1, $4  }
0x14d: {  	[sflag:s11] =	ssyncadd.s32 $0xFFFFEC00  }
0x14e: {  	_ =	swait.ge [sflag:s10], $0x8C00  }
0x14f: {  	p0 =	por $0x1, $0x1;
	s0 =	rddreg [dreg:$0x3]  }
0x150: {  	s1 =	sadd.s32 $0xFFFFFFFF, s1;
	[sflag:s10] =	ssyncset.done $0x0;
	[smem:$0x7F8] =	sst s29  }
.LBB2_2:
0x151: {  	[sflag:s10] =	ssyncadd.s32 $0xFFFF7400  }
0x152: {  	s29 =	smov.u32 s28;
	s28 =	smov.u32 s18;
	s18 =	smov.u32 s17  }
0x153: {  	[tilespmem:s2], [sflag:$0x1] =	stream.linear.gather [hbm4b:s0+s2], $0x280, $0x38;
	[tilespmem:$0x16800] =	vst v63  }
0x154: {  	s17 =	smov.u32 s6;
	s6 =	smov.u32 s5;
	s5 =	rddreg [dreg:$0x4]  }
0x155: {  	[tilespmem:s7], [sflag:$0x2] =	stream.linear.gather [hbm4b:s5+s2], $0x1180, $0x38;
	[tilespmem:$0x16800] =	vst v63  }
0x156: {  	s0 =	rddreg [dreg:$0x5]  }
0x157: {  	[tilespmem:s8], [sflag:$0x7] =	stream.linear.gather [hbm4b:s0+s2], $0x280, $0x38;
	[tilespmem:$0x16800] =	vst v63  }
0x158: {  	s5 =	rddreg [dreg:$0x6]  }
0x159: {  	[tilespmem:s9], [sflag:$0x8] =	stream.linear.gather [hbm4b:s5+s2], $0x1180, $0x38;
	[tilespmem:$0x16800] =	vst v63  }
0x15a: {  	_ =	swait.ge [sflag:s31], $0x280  }
0x15b: {  	[sflag:s31] =	ssyncset.done $0x0  }
0x15c: {  	[sflag:s31] =	ssyncadd.s32 $0xFFFFFD80  }
0x15d: {  	_ =	swait.ge [sflag:s30], $0x1180  }
0x15e: {  	[sflag:s30] =	ssyncset.done $0x0  }
0x15f: {  	[sflag:s30] =	ssyncadd.s32 $0xFFFFEE80  }
0x160: {  	[tilespmem:s22], [sflag:$0x3] =	stream.indirect.gather [hbm4b:s3+s7], $0x8, s2, s7, $0xb8;
	[tilespmem:$0x16800] =	vst v63  }
0x161: {  	_ = 	snop  }
0x162: {  	[tilespmem:s23], [sflag:$0x4] =	stream.indirect.gather [hbm4b:s4+s14], $0x8, s7, s14, $0xb8;
	[tilespmem:$0x16800] =	vst v63  }
0x163: {  	_ =	swait.ge [sflag:s26], $0x1400  }
0x164: {  	[sflag:s26] =	ssyncset.done $0x0  }
0x165: {  	[sflag:s26] =	ssyncadd.s32 $0xFFFFEC00  }
0x166: {  	_ =	swait.ge [sflag:s25], $0x8C00  }
0x167: {  	[sflag:s25] =	ssyncset.done $0x0  }
0x168: {  	s0 =	rddreg [dreg:$0x7];
	[sflag:s25] =	ssyncadd.s32 $0xFFFF7400  }
0x169: {  	[tilespmem:s2], [sflag:$0x1] =	stream.linear.gather [hbm4b:s0+s2], $0x280, $0x38;
	[tilespmem:$0x16800] =	vst v63  }
0x16a: {  	s5 =	rddreg [dreg:$0x8]  }
0x16b: {  	[tilespmem:s7], [sflag:$0x2] =	stream.linear.gather [hbm4b:s5+s2], $0x1180, $0x38;
	[tilespmem:$0x16800] =	vst v63  }
0x16c: {  	s0 =	rddreg [dreg:$0x9]  }
0x16d: {  	[hbm4b:s0+s2] =	stream.linear.scatter [tilespmem:s22], [sflag:$0x5], $0x1400, $0x38;
	[tilespmem:$0x16800] =	vst v63  }
0x16e: {  	s5 =	rddreg [dreg:$0xa]  }
0x16f: {  	[hbm4b:s5+s2] =	stream.linear.scatter [tilespmem:s23], [sflag:$0x6], $0x8C00, $0x38;
	[tilespmem:$0x16800] =	vst v63  }
0x170: {  	_ =	swait.ge [sflag:s24], $0x280  }
0x171: {  	[sflag:s24] =	ssyncset.done $0x0  }
0x172: {  	[sflag:s24] =	ssyncadd.s32 $0xFFFFFD80  }
0x173: {  	_ =	swait.ge [sflag:s21], $0x1180  }
0x174: {  	[sflag:s21] =	ssyncset.done $0x0  }
0x175: {  	[sflag:s21] =	ssyncadd.s32 $0xFFFFEE80  }
0x176: {  	[tilespmem:s12], [sflag:$0x9] =	stream.indirect.gather [hbm4b:s3+s7], $0x8, s8, s7, $0xb8;
	[tilespmem:$0x16800] =	vst v63  }
0x177: {  	_ = 	snop  }
0x178: {  	[tilespmem:s13], [sflag:$0xA] =	stream.indirect.gather [hbm4b:s4+s14], $0x8, s9, s14, $0xb8;
	[tilespmem:$0x16800] =	vst v63  }
0x179: {  	_ =	swait.ge [sflag:s20], $0x1400  }
0x17a: {  	[sflag:s20] =	ssyncset.done $0x0  }
0x17b: {  	[sflag:s20] =	ssyncadd.s32 $0xFFFFEC00  }
0x17c: {  	_ =	swait.ge [sflag:s19], $0x8C00  }
0x17d: {  	[sflag:s19] =	ssyncset.done $0x0  }
0x17e: {  	s0 =	rddreg [dreg:$0xb];
	[sflag:s19] =	ssyncadd.s32 $0xFFFF7400  }
0x17f: {  	[tilespmem:s8], [sflag:$0x7] =	stream.linear.gather [hbm4b:s0+s2], $0x280, $0x38;
	[tilespmem:$0x16800] =	vst v63  }
0x180: {  	s5 =	rddreg [dreg:$0xc]  }
0x181: {  	[tilespmem:s9], [sflag:$0x8] =	stream.linear.gather [hbm4b:s5+s2], $0x1180, $0x38;
	[tilespmem:$0x16800] =	vst v63  }
0x182: {  	s0 =	rddreg [dreg:$0xd]  }
0x183: {  	[hbm4b:s0+s2] =	stream.linear.scatter [tilespmem:s12], [sflag:$0xB], $0x1400, $0x38;
	[tilespmem:$0x16800] =	vst v63  }
0x184: {  	s5 =	rddreg [dreg:$0xe]  }
0x185: {  	[hbm4b:s5+s2] =	stream.linear.scatter [tilespmem:s13], [sflag:$0xC], $0x8C00, $0x38;
	[tilespmem:$0x16800] =	vst v63  }
0x186: {  	_ =	swait.ge [sflag:s31], $0x280  }
0x187: {  	[sflag:s31] =	ssyncset.done $0x0  }
0x188: {  	[sflag:s31] =	ssyncadd.s32 $0xFFFFFD80  }
0x189: {  	_ =	swait.ge [sflag:s30], $0x1180  }
0x18a: {  	[sflag:s30] =	ssyncset.done $0x0  }
0x18b: {  	[sflag:s30] =	ssyncadd.s32 $0xFFFFEE80  }
0x18c: {  	_ =	swait.ge [sflag:s16], $0x1400  }
0x18d: {  	[sflag:s16] =	ssyncset.done $0x0  }
0x18e: {  	[sflag:s16] =	ssyncadd.s32 $0xFFFFEC00  }
0x18f: {  	_ =	swait.ge [sflag:s15], $0x8C00  }
0x190: {  	[sflag:s15] =	ssyncset.done $0x0  }
0x191: {  	[sflag:s15] =	ssyncadd.s32 $0xFFFF7400  }
0x192: {  	[tilespmem:s22], [sflag:$0x3] =	stream.indirect.gather [hbm4b:s3+s7], $0x8, s2, s7, $0xb8;
	[tilespmem:$0x16800] =	vst v63  }
0x193: {  	_ = 	snop  }
0x194: {  	[tilespmem:s23], [sflag:$0x4] =	stream.indirect.gather [hbm4b:s4+s14], $0x8, s7, s14, $0xb8;
	[tilespmem:$0x16800] =	vst v63  }
0x195: {  	_ =	swait.ge [sflag:s26], $0x1400  }
0x196: {  	[sflag:s26] =	ssyncset.done $0x0  }
0x197: {  	[sflag:s26] =	ssyncadd.s32 $0xFFFFEC00  }
0x198: {  	_ =	swait.ge [sflag:s25], $0x8C00  }
0x199: {  	[sflag:s25] =	ssyncset.done $0x0  }
0x19a: {  	s0 =	rddreg [dreg:$0xf];
	[sflag:s25] =	ssyncadd.s32 $0xFFFF7400  }
0x19b: {  	[tilespmem:s2], [sflag:$0x1] =	stream.linear.gather [hbm4b:s0+s2], $0x280, $0x38;
	[tilespmem:$0x16800] =	vst v63  }
0x19c: {  	s5 =	rddreg [dreg:$0x10]  }
0x19d: {  	[tilespmem:s7], [sflag:$0x2] =	stream.linear.gather [hbm4b:s5+s2], $0x1180, $0x38;
	[tilespmem:$0x16800] =	vst v63  }
0x19e: {  	s0 =	rddreg [dreg:$0x11]  }
0x19f: {  	[hbm4b:s0+s2] =	stream.linear.scatter [tilespmem:s22], [sflag:$0x5], $0x1400, $0x38;
	[tilespmem:$0x16800] =	vst v63  }
0x1a0: {  	s5 =	rddreg [dreg:$0x12]  }
0x1a1: {  	[hbm4b:s5+s2] =	stream.linear.scatter [tilespmem:s23], [sflag:$0x6], $0x8C00, $0x38;
	[tilespmem:$0x16800] =	vst v63  }
0x1a2: {  	_ =	swait.ge [sflag:s24], $0x280  }
0x1a3: {  	[sflag:s24] =	ssyncset.done $0x0  }
0x1a4: {  	[sflag:s24] =	ssyncadd.s32 $0xFFFFFD80  }
0x1a5: {  	_ =	swait.ge [sflag:s21], $0x1180  }
0x1a6: {  	[sflag:s21] =	ssyncset.done $0x0  }
0x1a7: {  	[sflag:s21] =	ssyncadd.s32 $0xFFFFEE80  }
0x1a8: {  	_ =	swait.ge [sflag:s11], $0x1400  }
0x1a9: {  	[sflag:s11] =	ssyncset.done $0x0  }
0x1aa: {  	[sflag:s11] =	ssyncadd.s32 $0xFFFFEC00  }
0x1ab: {  	_ =	swait.ge [sflag:s10], $0x8C00  }
0x1ac: {  	[sflag:s10] =	ssyncset.done $0x0  }
0x1ad: {  	[sflag:s10] =	ssyncadd.s32 $0xFFFF7400  }
0x1ae: {  	[tilespmem:s12], [sflag:$0x9] =	stream.indirect.gather [hbm4b:s3+s7], $0x8, s8, s7, $0xb8;
	[tilespmem:$0x16800] =	vst v63  }
0x1af: {  	_ = 	snop  }
0x1b0: {  	[tilespmem:s13], [sflag:$0xA] =	stream.indirect.gather [hbm4b:s4+s14], $0x8, s9, s14, $0xb8;
	[tilespmem:$0x16800] =	vst v63  }
0x1b1: {  	_ =	swait.ge [sflag:s20], $0x1400  }
0x1b2: {  	[sflag:s20] =	ssyncset.done $0x0  }
0x1b3: {  	[sflag:s20] =	ssyncadd.s32 $0xFFFFEC00  }
0x1b4: {  	_ =	swait.ge [sflag:s19], $0x8C00  }
0x1b5: {  	[sflag:s19] =	ssyncset.done $0x0  }
0x1b6: {  	s0 =	rddreg [dreg:$0x13];
	[sflag:s19] =	ssyncadd.s32 $0xFFFF7400  }
0x1b7: {  	[tilespmem:s8], [sflag:$0x7] =	stream.linear.gather [hbm4b:s0+s2], $0x280, $0x38;
	[tilespmem:$0x16800] =	vst v63  }
0x1b8: {  	s5 =	rddreg [dreg:$0x14]  }
0x1b9: {  	[tilespmem:s9], [sflag:$0x8] =	stream.linear.gather [hbm4b:s5+s2], $0x1180, $0x38;
	[tilespmem:$0x16800] =	vst v63  }
0x1ba: {  	s0 =	rddreg [dreg:$0x15]  }
0x1bb: {  	[hbm4b:s0+s2] =	stream.linear.scatter [tilespmem:s12], [sflag:$0xB], $0x1400, $0x38;
	[tilespmem:$0x16800] =	vst v63  }
0x1bc: {  	s5 =	rddreg [dreg:$0x16]  }
0x1bd: {  	[hbm4b:s5+s2] =	stream.linear.scatter [tilespmem:s13], [sflag:$0xC], $0x8C00, $0x38;
	[tilespmem:$0x16800] =	vst v63  }
0x1be: {  	_ =	swait.ge [sflag:s31], $0x280  }
0x1bf: {  	[sflag:s31] =	ssyncset.done $0x0  }
0x1c0: {  	[sflag:s31] =	ssyncadd.s32 $0xFFFFFD80  }
0x1c1: {  	_ =	swait.ge [sflag:s30], $0x1180  }
0x1c2: {  	[sflag:s30] =	ssyncset.done $0x0  }
0x1c3: {  	[sflag:s30] =	ssyncadd.s32 $0xFFFFEE80  }
0x1c4: {  	_ =	swait.ge [sflag:s16], $0x1400  }
0x1c5: {  	[sflag:s16] =	ssyncset.done $0x0  }
0x1c6: {  	[sflag:s16] =	ssyncadd.s32 $0xFFFFEC00  }
0x1c7: {  	_ =	swait.ge [sflag:s15], $0x8C00  }
0x1c8: {  	[sflag:s15] =	ssyncset.done $0x0  }
0x1c9: {  	[sflag:s15] =	ssyncadd.s32 $0xFFFF7400  }
0x1ca: {  	[tilespmem:s22], [sflag:$0x3] =	stream.indirect.gather [hbm4b:s3+s7], $0x8, s2, s7, $0xb8;
	[tilespmem:$0x16800] =	vst v63  }
0x1cb: {  	_ = 	snop  }
0x1cc: {  	[tilespmem:s23], [sflag:$0x4] =	stream.indirect.gather [hbm4b:s4+s14], $0x8, s7, s14, $0xb8;
	[tilespmem:$0x16800] =	vst v63  }
0x1cd: {  	_ =	swait.ge [sflag:s26], $0x1400  }
0x1ce: {  	[sflag:s26] =	ssyncset.done $0x0  }
0x1cf: {  	[sflag:s26] =	ssyncadd.s32 $0xFFFFEC00  }
0x1d0: {  	_ =	swait.ge [sflag:s25], $0x8C00  }
0x1d1: {  	[sflag:s25] =	ssyncset.done $0x0  }
0x1d2: {  	s0 =	rddreg [dreg:$0x17];
	[sflag:s25] =	ssyncadd.s32 $0xFFFF7400  }
0x1d3: {  	[tilespmem:s2], [sflag:$0x1] =	stream.linear.gather [hbm4b:s0+s2], $0x280, $0x38;
	[tilespmem:$0x16800] =	vst v63  }
0x1d4: {  	s5 =	rddreg [dreg:$0x18]  }
0x1d5: {  	[tilespmem:s7], [sflag:$0x2] =	stream.linear.gather [hbm4b:s5+s2], $0x1180, $0x38;
	[tilespmem:$0x16800] =	vst v63  }
0x1d6: {  	s0 =	rddreg [dreg:$0x19]  }
0x1d7: {  	[hbm4b:s0+s2] =	stream.linear.scatter [tilespmem:s22], [sflag:$0x5], $0x1400, $0x38;
	[tilespmem:$0x16800] =	vst v63  }
0x1d8: {  	s5 =	rddreg [dreg:$0x1a]  }
0x1d9: {  	[hbm4b:s5+s2] =	stream.linear.scatter [tilespmem:s23], [sflag:$0x6], $0x8C00, $0x38;
	[tilespmem:$0x16800] =	vst v63  }
0x1da: {  	_ =	swait.ge [sflag:s24], $0x280  }
0x1db: {  	[sflag:s24] =	ssyncset.done $0x0  }
0x1dc: {  	[sflag:s24] =	ssyncadd.s32 $0xFFFFFD80  }
0x1dd: {  	_ =	swait.ge [sflag:s21], $0x1180  }
0x1de: {  	[sflag:s21] =	ssyncset.done $0x0  }
0x1df: {  	[sflag:s21] =	ssyncadd.s32 $0xFFFFEE80  }
0x1e0: {  	_ =	swait.ge [sflag:s11], $0x1400  }
0x1e1: {  	[sflag:s11] =	ssyncset.done $0x0  }
0x1e2: {  	[sflag:s11] =	ssyncadd.s32 $0xFFFFEC00  }
0x1e3: {  	_ =	swait.ge [sflag:s10], $0x8C00  }
0x1e4: {  	[sflag:s10] =	ssyncset.done $0x0  }
0x1e5: {  	[sflag:s10] =	ssyncadd.s32 $0xFFFF7400  }
0x1e6: {  	[tilespmem:s12], [sflag:$0x9] =	stream.indirect.gather [hbm4b:s3+s7], $0x8, s8, s7, $0xb8;
	[tilespmem:$0x16800] =	vst v63  }
0x1e7: {  	_ = 	snop  }
0x1e8: {  	[tilespmem:s13], [sflag:$0xA] =	stream.indirect.gather [hbm4b:s4+s14], $0x8, s9, s14, $0xb8;
	[tilespmem:$0x16800] =	vst v63  }
0x1e9: {  	_ =	swait.ge [sflag:s20], $0x1400  }
0x1ea: {  	[sflag:s20] =	ssyncset.done $0x0  }
0x1eb: {  	[sflag:s20] =	ssyncadd.s32 $0xFFFFEC00  }
0x1ec: {  	_ =	swait.ge [sflag:s19], $0x8C00  }
0x1ed: {  	[sflag:s19] =	ssyncset.done $0x0  }
0x1ee: {  	s0 =	rddreg [dreg:$0x1b];
	[sflag:s19] =	ssyncadd.s32 $0xFFFF7400  }
0x1ef: {  	[tilespmem:s8], [sflag:$0x7] =	stream.linear.gather [hbm4b:s0+s2], $0x280, $0x38;
	[tilespmem:$0x16800] =	vst v63  }
0x1f0: {  	s5 =	rddreg [dreg:$0x1c]  }
0x1f1: {  	[tilespmem:s9], [sflag:$0x8] =	stream.linear.gather [hbm4b:s5+s2], $0x1180, $0x38;
	[tilespmem:$0x16800] =	vst v63  }
0x1f2: {  	s0 =	rddreg [dreg:$0x1d]  }
0x1f3: {  	[hbm4b:s0+s2] =	stream.linear.scatter [tilespmem:s12], [sflag:$0xB], $0x1400, $0x38;
	[tilespmem:$0x16800] =	vst v63  }
0x1f4: {  	s5 =	rddreg [dreg:$0x1e]  }
0x1f5: {  	[hbm4b:s5+s2] =	stream.linear.scatter [tilespmem:s13], [sflag:$0xC], $0x8C00, $0x38;
	[tilespmem:$0x16800] =	vst v63  }
0x1f6: {  	_ =	swait.ge [sflag:s31], $0x280  }
0x1f7: {  	[sflag:s31] =	ssyncset.done $0x0  }
0x1f8: {  	[sflag:s31] =	ssyncadd.s32 $0xFFFFFD80  }
0x1f9: {  	_ =	swait.ge [sflag:s30], $0x1180  }
0x1fa: {  	[sflag:s30] =	ssyncset.done $0x0  }
0x1fb: {  	[sflag:s30] =	ssyncadd.s32 $0xFFFFEE80  }
0x1fc: {  	_ =	swait.ge [sflag:s16], $0x1400  }
0x1fd: {  	[sflag:s16] =	ssyncset.done $0x0  }
0x1fe: {  	[sflag:s16] =	ssyncadd.s32 $0xFFFFEC00  }
0x1ff: {  	_ =	swait.ge [sflag:s15], $0x8C00  }
0x200: {  	[sflag:s15] =	ssyncset.done $0x0  }
0x201: {  	[sflag:s15] =	ssyncadd.s32 $0xFFFF7400  }
0x202: {  	[tilespmem:s22], [sflag:$0x3] =	stream.indirect.gather [hbm4b:s3+s7], $0x8, s2, s7, $0xb8;
	[tilespmem:$0x16800] =	vst v63  }
0x203: {  	_ = 	snop  }
0x204: {  	[tilespmem:s23], [sflag:$0x4] =	stream.indirect.gather [hbm4b:s4+s14], $0x8, s7, s14, $0xb8;
	[tilespmem:$0x16800] =	vst v63  }
0x205: {  	_ =	swait.ge [sflag:s26], $0x1400  }
0x206: {  	[sflag:s26] =	ssyncset.done $0x0  }
0x207: {  	[sflag:s26] =	ssyncadd.s32 $0xFFFFEC00  }
0x208: {  	_ =	swait.ge [sflag:s25], $0x8C00  }
0x209: {  	s0 =	rddreg [dreg:$0x1f];
	[sflag:s25] =	ssyncset.done $0x0  }
0x20a: {  	s5 =	sld [smem:$0x7F9];
	[sflag:s25] =	ssyncadd.s32 $0xFFFF7400  }
0x20b: {  	[tilespmem:s2], [sflag:$0x1] =	stream.linear.gather [hbm4b:s0+s2], $0x280, $0x38;
	[tilespmem:$0x16800] =	vst v63  }
0x20c: {  	s0 =	sld [smem:$0x7FA]  }
0x20d: {  	[tilespmem:s7], [sflag:$0x2] =	stream.linear.gather [hbm4b:s5+s2], $0x1180, $0x38;
	[tilespmem:$0x16800] =	vst v63  }
0x20e: {  	s5 =	sld [smem:$0x7FB]  }
0x20f: {  	[hbm4b:s0+s2] =	stream.linear.scatter [tilespmem:s22], [sflag:$0x5], $0x1400, $0x38;
	[tilespmem:$0x16800] =	vst v63  }
0x210: {  	_ = 	snop  }
0x211: {  	[hbm4b:s5+s2] =	stream.linear.scatter [tilespmem:s23], [sflag:$0x6], $0x8C00, $0x38;
	[tilespmem:$0x16800] =	vst v63  }
0x212: {  	_ =	swait.ge [sflag:s24], $0x280  }
0x213: {  	[sflag:s24] =	ssyncset.done $0x0  }
0x214: {  	[sflag:s24] =	ssyncadd.s32 $0xFFFFFD80  }
0x215: {  	_ =	swait.ge [sflag:s21], $0x1180  }
0x216: {  	[sflag:s21] =	ssyncset.done $0x0  }
0x217: {  	[sflag:s21] =	ssyncadd.s32 $0xFFFFEE80  }
0x218: {  	_ =	swait.ge [sflag:s11], $0x1400  }
0x219: {  	[sflag:s11] =	ssyncset.done $0x0  }
0x21a: {  	[sflag:s11] =	ssyncadd.s32 $0xFFFFEC00  }
0x21b: {  	_ =	swait.ge [sflag:s10], $0x8C00  }
0x21c: {  	[sflag:s10] =	ssyncset.done $0x0  }
0x21d: {  	[sflag:s10] =	ssyncadd.s32 $0xFFFF7400  }
0x21e: {  	[tilespmem:s12], [sflag:$0x9] =	stream.indirect.gather [hbm4b:s3+s7], $0x8, s8, s7, $0xb8;
	[tilespmem:$0x16800] =	vst v63  }
0x21f: {  	_ = 	snop  }
0x220: {  	[tilespmem:s13], [sflag:$0xA] =	stream.indirect.gather [hbm4b:s4+s14], $0x8, s9, s14, $0xb8;
	[tilespmem:$0x16800] =	vst v63  }
0x221: {  	_ =	swait.ge [sflag:s20], $0x1400  }
0x222: {  	[sflag:s20] =	ssyncset.done $0x0  }
0x223: {  	[sflag:s20] =	ssyncadd.s32 $0xFFFFEC00  }
0x224: {  	_ =	swait.ge [sflag:s19], $0x8C00  }
0x225: {  	s0 =	sld [smem:$0x7FC]  }
0x226: {  	[sflag:s19] =	ssyncset.done $0x0  }
0x227: {  	s5 =	sld [smem:$0x7FD];
	[sflag:s19] =	ssyncadd.s32 $0xFFFF7400  }
0x228: {  	[tilespmem:s8], [sflag:$0x7] =	stream.linear.gather [hbm4b:s0+s2], $0x280, $0x38;
	[tilespmem:$0x16800] =	vst v63  }
0x229: {  	_ = 	snop  }
0x22a: {  	[tilespmem:s9], [sflag:$0x8] =	stream.linear.gather [hbm4b:s5+s2], $0x1180, $0x38;
	[tilespmem:$0x16800] =	vst v63  }
0x22b: {  	s5 =	smov.u32 s6;
	s6 =	smov.u32 s17;
	s17 =	smov.u32 s18  }
0x22c: {  	s18 =	smov.u32 s28;
	s28 =	smov.u32 s29;
	s29 =	sld [smem:$0x7F8]  }
0x22d: {  	[hbm4b:s28+s2] =	stream.linear.scatter [tilespmem:s12], [sflag:$0xB], $0x1400, $0x38;
	[tilespmem:$0x16800] =	vst v63  }
0x22e: {  	_ = 	snop  }
0x22f: {  	[hbm4b:s29+s2] =	stream.linear.scatter [tilespmem:s13], [sflag:$0xC], $0x8C00, $0x38;
	[tilespmem:$0x16800] =	vst v63  }
0x230: {  	_ =	swait.ge [sflag:s31], $0x280  }
0x231: {  	[sflag:s31] =	ssyncset.done $0x0  }
0x232: {  	[sflag:s31] =	ssyncadd.s32 $0xFFFFFD80  }
0x233: {  	_ =	swait.ge [sflag:s30], $0x1180  }
0x234: {  	[sflag:s30] =	ssyncset.done $0x0  }
0x235: {  	[sflag:s30] =	ssyncadd.s32 $0xFFFFEE80  }
0x236: {  	_ =	swait.ge [sflag:s16], $0x1400  }
0x237: {  	[sflag:s16] =	ssyncset.done $0x0  }
0x238: {  	[sflag:s16] =	ssyncadd.s32 $0xFFFFEC00  }
0x239: {  	_ =	swait.ge [sflag:s15], $0x8C00  }
0x23a: {  	[sflag:s15] =	ssyncset.done $0x0  }
0x23b: {  	[sflag:s15] =	ssyncadd.s32 $0xFFFF7400  }
0x23c: {  	[tilespmem:s22], [sflag:$0x3] =	stream.indirect.gather [hbm4b:s3+s7], $0x8, s2, s7, $0xb8;
	[tilespmem:$0x16800] =	vst v63  }
0x23d: {  	_ = 	snop  }
0x23e: {  	[tilespmem:s23], [sflag:$0x4] =	stream.indirect.gather [hbm4b:s4+s14], $0x8, s7, s14, $0xb8;
	[tilespmem:$0x16800] =	vst v63  }
0x23f: {  	_ =	swait.ge [sflag:s26], $0x1400  }
0x240: {  	[sflag:s26] =	ssyncset.done $0x0  }
0x241: {  	[sflag:s26] =	ssyncadd.s32 $0xFFFFEC00  }
0x242: {  	_ =	swait.ge [sflag:s25], $0x8C00  }
0x243: {  	[sflag:s25] =	ssyncset.done $0x0  }
0x244: {  	[sflag:s25] =	ssyncadd.s32 $0xFFFF7400  }
0x245: {  	[hbm4b:s17+s2] =	stream.linear.scatter [tilespmem:s22], [sflag:$0x5], $0x1400, $0x38;
	[tilespmem:$0x16800] =	vst v63  }
0x246: {  	_ = 	snop  }
0x247: {  	[hbm4b:s18+s2] =	stream.linear.scatter [tilespmem:s23], [sflag:$0x6], $0x8C00, $0x38;
	[tilespmem:$0x16800] =	vst v63  }
0x248: {  	_ =	swait.ge [sflag:s24], $0x280  }
0x249: {  	[sflag:s24] =	ssyncset.done $0x0  }
0x24a: {  	[sflag:s24] =	ssyncadd.s32 $0xFFFFFD80  }
0x24b: {  	_ =	swait.ge [sflag:s21], $0x1180  }
0x24c: {  	[sflag:s21] =	ssyncset.done $0x0  }
0x24d: {  	[sflag:s21] =	ssyncadd.s32 $0xFFFFEE80  }
0x24e: {  	_ =	swait.ge [sflag:s11], $0x1400  }
0x24f: {  	[sflag:s11] =	ssyncset.done $0x0  }
0x250: {  	[sflag:s11] =	ssyncadd.s32 $0xFFFFEC00  }
0x251: {  	_ =	swait.ge [sflag:s10], $0x8C00  }
0x252: {  	[sflag:s10] =	ssyncset.done $0x0  }
0x253: {  	[sflag:s10] =	ssyncadd.s32 $0xFFFF7400  }
0x254: {  	[tilespmem:s12], [sflag:$0x9] =	stream.indirect.gather [hbm4b:s3+s7], $0x8, s8, s7, $0xb8;
	[tilespmem:$0x16800] =	vst v63  }
0x255: {  	_ = 	snop  }
0x256: {  	[tilespmem:s13], [sflag:$0xA] =	stream.indirect.gather [hbm4b:s4+s14], $0x8, s9, s14, $0xb8;
	[tilespmem:$0x16800] =	vst v63  }
0x257: {  	_ =	swait.ge [sflag:s20], $0x1400  }
0x258: {  	[sflag:s20] =	ssyncset.done $0x0  }
0x259: {  	[sflag:s20] =	ssyncadd.s32 $0xFFFFEC00  }
0x25a: {  	_ =	swait.ge [sflag:s19], $0x8C00  }
0x25b: {  	[sflag:s19] =	ssyncset.done $0x0  }
0x25c: {  	[sflag:s19] =	ssyncadd.s32 $0xFFFF7400  }
0x25d: {  	[hbm4b:s5+s2] =	stream.linear.scatter [tilespmem:s12], [sflag:$0xB], $0x1400, $0x38;
	[tilespmem:$0x16800] =	vst v63  }
0x25e: {  	_ = 	snop  }
0x25f: {  	[hbm4b:s6+s2] =	stream.linear.scatter [tilespmem:s13], [sflag:$0xC], $0x8C00, $0x38;
	[tilespmem:$0x16800] =	vst v63  }
0x260: {  	_ =	swait.ge [sflag:s16], $0x1400  }
0x261: {  	[sflag:s16] =	ssyncset.done $0x0  }
0x262: {  	[sflag:s16] =	ssyncadd.s32 $0xFFFFEC00  }
0x263: {  	_ =	swait.ge [sflag:s15], $0x8C00  }
0x264: {  	[sflag:s15] =	ssyncset.done $0x0  }
0x265: {  	p1 =	sne.s32 s1, $0x1;
	[sflag:s15] =	ssyncadd.s32 $0xFFFF7400  }
.Ltmp2:
0x266: {  	_ =	swait.ge [sflag:s11], $0x1400;
	(pc) =	sbr.rel @p1 .LBB2_2-.Ltmp2, $4  }
0x267: {  	[sflag:s11] =	ssyncset.done $0x0  }
0x268: {  	[sflag:s11] =	ssyncadd.s32 $0xFFFFEC00  }
0x269: {  	_ =	swait.ge [sflag:s10], $0x8C00  }
0x26a: {  	s1 =	sadd.s32 $0xFFFFFFFF, s1;
	s0 =	rddreg [dreg:$0x3];
	[sflag:s10] =	ssyncset.done $0x0  }
.LBB2_3:
0x26b: {  	[sflag:s10] =	ssyncadd.s32 @p0 $0xFFFF7400  }
0x26c: {  	[tilespmem:s2], [sflag:$0x1] =	stream.linear.gather [hbm4b:s0+s2], $0x280, $0x38;
	[tilespmem:$0x16800] =	vst v63  }
0x26d: {  	s1 =	rddreg [dreg:$0x4]  }
0x26e: {  	[tilespmem:s7], [sflag:$0x2] =	stream.linear.gather [hbm4b:s1+s2], $0x1180, $0x38;
	[tilespmem:$0x16800] =	vst v63  }
0x26f: {  	s0 =	rddreg [dreg:$0x5]  }
0x270: {  	[tilespmem:s8], [sflag:$0x7] =	stream.linear.gather [hbm4b:s0+s2], $0x280, $0x38;
	[tilespmem:$0x16800] =	vst v63  }
0x271: {  	s1 =	rddreg [dreg:$0x6]  }
0x272: {  	[tilespmem:s9], [sflag:$0x8] =	stream.linear.gather [hbm4b:s1+s2], $0x1180, $0x38;
	[tilespmem:$0x16800] =	vst v63  }
0x273: {  	_ =	swait.ge [sflag:s31], $0x280  }
0x274: {  	[sflag:s31] =	ssyncset.done $0x0  }
0x275: {  	[sflag:s31] =	ssyncadd.s32 $0xFFFFFD80  }
0x276: {  	_ =	swait.ge [sflag:s30], $0x1180  }
0x277: {  	[sflag:s30] =	ssyncset.done $0x0  }
0x278: {  	[sflag:s30] =	ssyncadd.s32 $0xFFFFEE80  }
0x279: {  	[tilespmem:s22], [sflag:$0x3] =	stream.indirect.gather [hbm4b:s3+s7], $0x8, s2, s7, $0xb8;
	[tilespmem:$0x16800] =	vst v63  }
0x27a: {  	_ = 	snop  }
0x27b: {  	[tilespmem:s23], [sflag:$0x4] =	stream.indirect.gather [hbm4b:s4+s14], $0x8, s7, s14, $0xb8;
	[tilespmem:$0x16800] =	vst v63  }
0x27c: {  	_ =	swait.ge [sflag:s26], $0x1400  }
0x27d: {  	[sflag:s26] =	ssyncset.done $0x0  }
0x27e: {  	[sflag:s26] =	ssyncadd.s32 $0xFFFFEC00  }
0x27f: {  	_ =	swait.ge [sflag:s25], $0x8C00  }
0x280: {  	[sflag:s25] =	ssyncset.done $0x0  }
0x281: {  	s0 =	rddreg [dreg:$0x7];
	[sflag:s25] =	ssyncadd.s32 $0xFFFF7400  }
0x282: {  	[tilespmem:s2], [sflag:$0x1] =	stream.linear.gather [hbm4b:s0+s2], $0x280, $0x38;
	[tilespmem:$0x16800] =	vst v63  }
0x283: {  	s1 =	rddreg [dreg:$0x8]  }
0x284: {  	[tilespmem:s7], [sflag:$0x2] =	stream.linear.gather [hbm4b:s1+s2], $0x1180, $0x38;
	[tilespmem:$0x16800] =	vst v63  }
0x285: {  	s0 =	rddreg [dreg:$0x9]  }
0x286: {  	[hbm4b:s0+s2] =	stream.linear.scatter [tilespmem:s22], [sflag:$0x5], $0x1400, $0x38;
	[tilespmem:$0x16800] =	vst v63  }
0x287: {  	s1 =	rddreg [dreg:$0xa]  }
0x288: {  	[hbm4b:s1+s2] =	stream.linear.scatter [tilespmem:s23], [sflag:$0x6], $0x8C00, $0x38;
	[tilespmem:$0x16800] =	vst v63  }
0x289: {  	_ =	swait.ge [sflag:s24], $0x280  }
0x28a: {  	[sflag:s24] =	ssyncset.done $0x0  }
0x28b: {  	[sflag:s24] =	ssyncadd.s32 $0xFFFFFD80  }
0x28c: {  	_ =	swait.ge [sflag:s21], $0x1180  }
0x28d: {  	[sflag:s21] =	ssyncset.done $0x0  }
0x28e: {  	[sflag:s21] =	ssyncadd.s32 $0xFFFFEE80  }
0x28f: {  	[tilespmem:s12], [sflag:$0x9] =	stream.indirect.gather [hbm4b:s3+s7], $0x8, s8, s7, $0xb8;
	[tilespmem:$0x16800] =	vst v63  }
0x290: {  	_ = 	snop  }
0x291: {  	[tilespmem:s13], [sflag:$0xA] =	stream.indirect.gather [hbm4b:s4+s14], $0x8, s9, s14, $0xb8;
	[tilespmem:$0x16800] =	vst v63  }
0x292: {  	_ =	swait.ge [sflag:s20], $0x1400  }
0x293: {  	[sflag:s20] =	ssyncset.done $0x0  }
0x294: {  	[sflag:s20] =	ssyncadd.s32 $0xFFFFEC00  }
0x295: {  	_ =	swait.ge [sflag:s19], $0x8C00  }
0x296: {  	[sflag:s19] =	ssyncset.done $0x0  }
0x297: {  	s0 =	rddreg [dreg:$0xb];
	[sflag:s19] =	ssyncadd.s32 $0xFFFF7400  }
0x298: {  	[tilespmem:s8], [sflag:$0x7] =	stream.linear.gather [hbm4b:s0+s2], $0x280, $0x38;
	[tilespmem:$0x16800] =	vst v63  }
0x299: {  	s1 =	rddreg [dreg:$0xc]  }
0x29a: {  	[tilespmem:s9], [sflag:$0x8] =	stream.linear.gather [hbm4b:s1+s2], $0x1180, $0x38;
	[tilespmem:$0x16800] =	vst v63  }
0x29b: {  	s0 =	rddreg [dreg:$0xd]  }
0x29c: {  	[hbm4b:s0+s2] =	stream.linear.scatter [tilespmem:s12], [sflag:$0xB], $0x1400, $0x38;
	[tilespmem:$0x16800] =	vst v63  }
0x29d: {  	s1 =	rddreg [dreg:$0xe]  }
0x29e: {  	[hbm4b:s1+s2] =	stream.linear.scatter [tilespmem:s13], [sflag:$0xC], $0x8C00, $0x38;
	[tilespmem:$0x16800] =	vst v63  }
0x29f: {  	_ =	swait.ge [sflag:s31], $0x280  }
0x2a0: {  	[sflag:s31] =	ssyncset.done $0x0  }
0x2a1: {  	[sflag:s31] =	ssyncadd.s32 $0xFFFFFD80  }
0x2a2: {  	_ =	swait.ge [sflag:s30], $0x1180  }
0x2a3: {  	[sflag:s30] =	ssyncset.done $0x0  }
0x2a4: {  	[sflag:s30] =	ssyncadd.s32 $0xFFFFEE80  }
0x2a5: {  	_ =	swait.ge [sflag:s16], $0x1400  }
0x2a6: {  	[sflag:s16] =	ssyncset.done $0x0  }
0x2a7: {  	[sflag:s16] =	ssyncadd.s32 $0xFFFFEC00  }
0x2a8: {  	_ =	swait.ge [sflag:s15], $0x8C00  }
0x2a9: {  	[sflag:s15] =	ssyncset.done $0x0  }
0x2aa: {  	[sflag:s15] =	ssyncadd.s32 $0xFFFF7400  }
0x2ab: {  	[tilespmem:s22], [sflag:$0x3] =	stream.indirect.gather [hbm4b:s3+s7], $0x8, s2, s7, $0xb8;
	[tilespmem:$0x16800] =	vst v63  }
0x2ac: {  	_ = 	snop  }
0x2ad: {  	[tilespmem:s23], [sflag:$0x4] =	stream.indirect.gather [hbm4b:s4+s14], $0x8, s7, s14, $0xb8;
	[tilespmem:$0x16800] =	vst v63  }
0x2ae: {  	_ =	swait.ge [sflag:s26], $0x1400  }
0x2af: {  	[sflag:s26] =	ssyncset.done $0x0  }
0x2b0: {  	[sflag:s26] =	ssyncadd.s32 $0xFFFFEC00  }
0x2b1: {  	_ =	swait.ge [sflag:s25], $0x8C00  }
0x2b2: {  	[sflag:s25] =	ssyncset.done $0x0  }
0x2b3: {  	s0 =	rddreg [dreg:$0xf];
	[sflag:s25] =	ssyncadd.s32 $0xFFFF7400  }
0x2b4: {  	[tilespmem:s2], [sflag:$0x1] =	stream.linear.gather [hbm4b:s0+s2], $0x280, $0x38;
	[tilespmem:$0x16800] =	vst v63  }
0x2b5: {  	s1 =	rddreg [dreg:$0x10]  }
0x2b6: {  	[tilespmem:s7], [sflag:$0x2] =	stream.linear.gather [hbm4b:s1+s2], $0x1180, $0x38;
	[tilespmem:$0x16800] =	vst v63  }
0x2b7: {  	s0 =	rddreg [dreg:$0x11]  }
0x2b8: {  	[hbm4b:s0+s2] =	stream.linear.scatter [tilespmem:s22], [sflag:$0x5], $0x1400, $0x38;
	[tilespmem:$0x16800] =	vst v63  }
0x2b9: {  	s1 =	rddreg [dreg:$0x12]  }
0x2ba: {  	[hbm4b:s1+s2] =	stream.linear.scatter [tilespmem:s23], [sflag:$0x6], $0x8C00, $0x38;
	[tilespmem:$0x16800] =	vst v63  }
0x2bb: {  	_ =	swait.ge [sflag:s24], $0x280  }
0x2bc: {  	[sflag:s24] =	ssyncset.done $0x0  }
0x2bd: {  	[sflag:s24] =	ssyncadd.s32 $0xFFFFFD80  }
0x2be: {  	_ =	swait.ge [sflag:s21], $0x1180  }
0x2bf: {  	[sflag:s21] =	ssyncset.done $0x0  }
0x2c0: {  	[sflag:s21] =	ssyncadd.s32 $0xFFFFEE80  }
0x2c1: {  	_ =	swait.ge [sflag:s11], $0x1400  }
0x2c2: {  	[sflag:s11] =	ssyncset.done $0x0  }
0x2c3: {  	[sflag:s11] =	ssyncadd.s32 $0xFFFFEC00  }
0x2c4: {  	_ =	swait.ge [sflag:s10], $0x8C00  }
0x2c5: {  	[sflag:s10] =	ssyncset.done $0x0  }
0x2c6: {  	[sflag:s10] =	ssyncadd.s32 $0xFFFF7400  }
0x2c7: {  	[tilespmem:s12], [sflag:$0x9] =	stream.indirect.gather [hbm4b:s3+s7], $0x8, s8, s7, $0xb8;
	[tilespmem:$0x16800] =	vst v63  }
0x2c8: {  	_ = 	snop  }
0x2c9: {  	[tilespmem:s13], [sflag:$0xA] =	stream.indirect.gather [hbm4b:s4+s14], $0x8, s9, s14, $0xb8;
	[tilespmem:$0x16800] =	vst v63  }
0x2ca: {  	_ =	swait.ge [sflag:s20], $0x1400  }
0x2cb: {  	[sflag:s20] =	ssyncset.done $0x0  }
0x2cc: {  	[sflag:s20] =	ssyncadd.s32 $0xFFFFEC00  }
0x2cd: {  	_ =	swait.ge [sflag:s19], $0x8C00  }
0x2ce: {  	[sflag:s19] =	ssyncset.done $0x0  }
0x2cf: {  	s0 =	rddreg [dreg:$0x13];
	[sflag:s19] =	ssyncadd.s32 $0xFFFF7400  }
0x2d0: {  	[tilespmem:s8], [sflag:$0x7] =	stream.linear.gather [hbm4b:s0+s2], $0x280, $0x38;
	[tilespmem:$0x16800] =	vst v63  }
0x2d1: {  	s1 =	rddreg [dreg:$0x14]  }
0x2d2: {  	[tilespmem:s9], [sflag:$0x8] =	stream.linear.gather [hbm4b:s1+s2], $0x1180, $0x38;
	[tilespmem:$0x16800] =	vst v63  }
0x2d3: {  	s0 =	rddreg [dreg:$0x15]  }
0x2d4: {  	[hbm4b:s0+s2] =	stream.linear.scatter [tilespmem:s12], [sflag:$0xB], $0x1400, $0x38;
	[tilespmem:$0x16800] =	vst v63  }
0x2d5: {  	s1 =	rddreg [dreg:$0x16]  }
0x2d6: {  	[hbm4b:s1+s2] =	stream.linear.scatter [tilespmem:s13], [sflag:$0xC], $0x8C00, $0x38;
	[tilespmem:$0x16800] =	vst v63  }
0x2d7: {  	_ =	swait.ge [sflag:s31], $0x280  }
0x2d8: {  	[sflag:s31] =	ssyncset.done $0x0  }
0x2d9: {  	[sflag:s31] =	ssyncadd.s32 $0xFFFFFD80  }
0x2da: {  	_ =	swait.ge [sflag:s30], $0x1180  }
0x2db: {  	[sflag:s30] =	ssyncset.done $0x0  }
0x2dc: {  	[sflag:s30] =	ssyncadd.s32 $0xFFFFEE80  }
0x2dd: {  	_ =	swait.ge [sflag:s16], $0x1400  }
0x2de: {  	[sflag:s16] =	ssyncset.done $0x0  }
0x2df: {  	[sflag:s16] =	ssyncadd.s32 $0xFFFFEC00  }
0x2e0: {  	_ =	swait.ge [sflag:s15], $0x8C00  }
0x2e1: {  	[sflag:s15] =	ssyncset.done $0x0  }
0x2e2: {  	[sflag:s15] =	ssyncadd.s32 $0xFFFF7400  }
0x2e3: {  	[tilespmem:s22], [sflag:$0x3] =	stream.indirect.gather [hbm4b:s3+s7], $0x8, s2, s7, $0xb8;
	[tilespmem:$0x16800] =	vst v63  }
0x2e4: {  	_ = 	snop  }
0x2e5: {  	[tilespmem:s23], [sflag:$0x4] =	stream.indirect.gather [hbm4b:s4+s14], $0x8, s7, s14, $0xb8;
	[tilespmem:$0x16800] =	vst v63  }
0x2e6: {  	_ =	swait.ge [sflag:s26], $0x1400  }
0x2e7: {  	[sflag:s26] =	ssyncset.done $0x0  }
0x2e8: {  	[sflag:s26] =	ssyncadd.s32 $0xFFFFEC00  }
0x2e9: {  	_ =	swait.ge [sflag:s25], $0x8C00  }
0x2ea: {  	[sflag:s25] =	ssyncset.done $0x0  }
0x2eb: {  	s0 =	rddreg [dreg:$0x17];
	[sflag:s25] =	ssyncadd.s32 $0xFFFF7400  }
0x2ec: {  	[tilespmem:s2], [sflag:$0x1] =	stream.linear.gather [hbm4b:s0+s2], $0x280, $0x38;
	[tilespmem:$0x16800] =	vst v63  }
0x2ed: {  	s1 =	rddreg [dreg:$0x18]  }
0x2ee: {  	[tilespmem:s7], [sflag:$0x2] =	stream.linear.gather [hbm4b:s1+s2], $0x1180, $0x38;
	[tilespmem:$0x16800] =	vst v63  }
0x2ef: {  	s0 =	rddreg [dreg:$0x19]  }
0x2f0: {  	[hbm4b:s0+s2] =	stream.linear.scatter [tilespmem:s22], [sflag:$0x5], $0x1400, $0x38;
	[tilespmem:$0x16800] =	vst v63  }
0x2f1: {  	s1 =	rddreg [dreg:$0x1a]  }
0x2f2: {  	[hbm4b:s1+s2] =	stream.linear.scatter [tilespmem:s23], [sflag:$0x6], $0x8C00, $0x38;
	[tilespmem:$0x16800] =	vst v63  }
0x2f3: {  	_ =	swait.ge [sflag:s24], $0x280  }
0x2f4: {  	[sflag:s24] =	ssyncset.done $0x0  }
0x2f5: {  	[sflag:s24] =	ssyncadd.s32 $0xFFFFFD80  }
0x2f6: {  	_ =	swait.ge [sflag:s21], $0x1180  }
0x2f7: {  	[sflag:s21] =	ssyncset.done $0x0  }
0x2f8: {  	[sflag:s21] =	ssyncadd.s32 $0xFFFFEE80  }
0x2f9: {  	_ =	swait.ge [sflag:s11], $0x1400  }
0x2fa: {  	[sflag:s11] =	ssyncset.done $0x0  }
0x2fb: {  	[sflag:s11] =	ssyncadd.s32 $0xFFFFEC00  }
0x2fc: {  	_ =	swait.ge [sflag:s10], $0x8C00  }
0x2fd: {  	[sflag:s10] =	ssyncset.done $0x0  }
0x2fe: {  	[sflag:s10] =	ssyncadd.s32 $0xFFFF7400  }
0x2ff: {  	[tilespmem:s12], [sflag:$0x9] =	stream.indirect.gather [hbm4b:s3+s7], $0x8, s8, s7, $0xb8;
	[tilespmem:$0x16800] =	vst v63  }
0x300: {  	_ = 	snop  }
0x301: {  	[tilespmem:s13], [sflag:$0xA] =	stream.indirect.gather [hbm4b:s4+s14], $0x8, s9, s14, $0xb8;
	[tilespmem:$0x16800] =	vst v63  }
0x302: {  	_ =	swait.ge [sflag:s20], $0x1400  }
0x303: {  	[sflag:s20] =	ssyncset.done $0x0  }
0x304: {  	[sflag:s20] =	ssyncadd.s32 $0xFFFFEC00  }
0x305: {  	_ =	swait.ge [sflag:s19], $0x8C00  }
0x306: {  	[sflag:s19] =	ssyncset.done $0x0  }
0x307: {  	s0 =	rddreg [dreg:$0x1b];
	[sflag:s19] =	ssyncadd.s32 $0xFFFF7400  }
0x308: {  	[tilespmem:s8], [sflag:$0x7] =	stream.linear.gather [hbm4b:s0+s2], $0x280, $0x38;
	[tilespmem:$0x16800] =	vst v63  }
0x309: {  	s1 =	rddreg [dreg:$0x1c]  }
0x30a: {  	[tilespmem:s9], [sflag:$0x8] =	stream.linear.gather [hbm4b:s1+s2], $0x1180, $0x38;
	[tilespmem:$0x16800] =	vst v63  }
0x30b: {  	s0 =	rddreg [dreg:$0x1d]  }
0x30c: {  	[hbm4b:s0+s2] =	stream.linear.scatter [tilespmem:s12], [sflag:$0xB], $0x1400, $0x38;
	[tilespmem:$0x16800] =	vst v63  }
0x30d: {  	s1 =	rddreg [dreg:$0x1e]  }
0x30e: {  	[hbm4b:s1+s2] =	stream.linear.scatter [tilespmem:s13], [sflag:$0xC], $0x8C00, $0x38;
	[tilespmem:$0x16800] =	vst v63  }
0x30f: {  	_ =	swait.ge [sflag:s31], $0x280  }
0x310: {  	[sflag:s31] =	ssyncset.done $0x0  }
0x311: {  	[sflag:s31] =	ssyncadd.s32 $0xFFFFFD80  }
0x312: {  	_ =	swait.ge [sflag:s30], $0x1180  }
0x313: {  	[sflag:s30] =	ssyncset.done $0x0  }
0x314: {  	[sflag:s30] =	ssyncadd.s32 $0xFFFFEE80  }
0x315: {  	_ =	swait.ge [sflag:s16], $0x1400  }
0x316: {  	[sflag:s16] =	ssyncset.done $0x0  }
0x317: {  	[sflag:s16] =	ssyncadd.s32 $0xFFFFEC00  }
0x318: {  	_ =	swait.ge [sflag:s15], $0x8C00  }
0x319: {  	[sflag:s15] =	ssyncset.done $0x0  }
0x31a: {  	[sflag:s15] =	ssyncadd.s32 $0xFFFF7400  }
0x31b: {  	[tilespmem:s22], [sflag:$0x3] =	stream.indirect.gather [hbm4b:s3+s7], $0x8, s2, s7, $0xb8;
	[tilespmem:$0x16800] =	vst v63  }
0x31c: {  	_ = 	snop  }
0x31d: {  	[tilespmem:s23], [sflag:$0x4] =	stream.indirect.gather [hbm4b:s4+s14], $0x8, s7, s14, $0xb8;
	[tilespmem:$0x16800] =	vst v63  }
0x31e: {  	_ =	swait.ge [sflag:s26], $0x1400  }
0x31f: {  	[sflag:s26] =	ssyncset.done $0x0  }
0x320: {  	[sflag:s26] =	ssyncadd.s32 $0xFFFFEC00  }
0x321: {  	_ =	swait.ge [sflag:s25], $0x8C00  }
0x322: {  	s0 =	rddreg [dreg:$0x1f];
	[sflag:s25] =	ssyncset.done $0x0  }
0x323: {  	s1 =	sld [smem:$0x7F9];
	[sflag:s25] =	ssyncadd.s32 $0xFFFF7400  }
0x324: {  	[tilespmem:s2], [sflag:$0x1] =	stream.linear.gather [hbm4b:s0+s2], $0x280, $0x38;
	[tilespmem:$0x16800] =	vst v63  }
0x325: {  	s0 =	sld [smem:$0x7FA]  }
0x326: {  	[tilespmem:s7], [sflag:$0x2] =	stream.linear.gather [hbm4b:s1+s2], $0x1180, $0x38;
	[tilespmem:$0x16800] =	vst v63  }
0x327: {  	s1 =	sld [smem:$0x7FB]  }
0x328: {  	[hbm4b:s0+s2] =	stream.linear.scatter [tilespmem:s22], [sflag:$0x5], $0x1400, $0x38;
	[tilespmem:$0x16800] =	vst v63  }
0x329: {  	_ = 	snop  }
0x32a: {  	[hbm4b:s1+s2] =	stream.linear.scatter [tilespmem:s23], [sflag:$0x6], $0x8C00, $0x38;
	[tilespmem:$0x16800] =	vst v63  }
0x32b: {  	_ =	swait.ge [sflag:s24], $0x280  }
0x32c: {  	[sflag:s24] =	ssyncset.done $0x0  }
0x32d: {  	[sflag:s24] =	ssyncadd.s32 $0xFFFFFD80  }
0x32e: {  	_ =	swait.ge [sflag:s21], $0x1180  }
0x32f: {  	[sflag:s21] =	ssyncset.done $0x0  }
0x330: {  	[sflag:s21] =	ssyncadd.s32 $0xFFFFEE80  }
0x331: {  	_ =	swait.ge [sflag:s11], $0x1400  }
0x332: {  	[sflag:s11] =	ssyncset.done $0x0  }
0x333: {  	[sflag:s11] =	ssyncadd.s32 $0xFFFFEC00  }
0x334: {  	_ =	swait.ge [sflag:s10], $0x8C00  }
0x335: {  	[sflag:s10] =	ssyncset.done $0x0  }
0x336: {  	[sflag:s10] =	ssyncadd.s32 $0xFFFF7400  }
0x337: {  	[tilespmem:s12], [sflag:$0x9] =	stream.indirect.gather [hbm4b:s3+s7], $0x8, s8, s7, $0xb8;
	[tilespmem:$0x16800] =	vst v63  }
0x338: {  	_ = 	snop  }
0x339: {  	[tilespmem:s13], [sflag:$0xA] =	stream.indirect.gather [hbm4b:s4+s14], $0x8, s9, s14, $0xb8;
	[tilespmem:$0x16800] =	vst v63  }
0x33a: {  	_ =	swait.ge [sflag:s20], $0x1400  }
0x33b: {  	[sflag:s20] =	ssyncset.done $0x0  }
0x33c: {  	[sflag:s20] =	ssyncadd.s32 $0xFFFFEC00  }
0x33d: {  	_ =	swait.ge [sflag:s19], $0x8C00  }
0x33e: {  	s0 =	sld [smem:$0x7FC]  }
0x33f: {  	[sflag:s19] =	ssyncset.done $0x0  }
0x340: {  	s1 =	sld [smem:$0x7FD];
	[sflag:s19] =	ssyncadd.s32 $0xFFFF7400  }
0x341: {  	[tilespmem:s8], [sflag:$0x7] =	stream.linear.gather [hbm4b:s0+s2], $0x280, $0x38;
	[tilespmem:$0x16800] =	vst v63  }
0x342: {  	_ = 	snop  }
0x343: {  	[tilespmem:s9], [sflag:$0x8] =	stream.linear.gather [hbm4b:s1+s2], $0x1180, $0x38;
	[tilespmem:$0x16800] =	vst v63  }
0x344: {  	_ = 	snop  }
0x345: {  	[hbm4b:s28+s2] =	stream.linear.scatter [tilespmem:s12], [sflag:$0xB], $0x1400, $0x38;
	[tilespmem:$0x16800] =	vst v63  }
0x346: {  	_ = 	snop  }
0x347: {  	[hbm4b:s29+s2] =	stream.linear.scatter [tilespmem:s13], [sflag:$0xC], $0x8C00, $0x38;
	[tilespmem:$0x16800] =	vst v63  }
0x348: {  	_ =	swait.ge [sflag:s31], $0x280  }
0x349: {  	[sflag:s31] =	ssyncset.done $0x0  }
0x34a: {  	[sflag:s31] =	ssyncadd.s32 $0xFFFFFD80  }
0x34b: {  	_ =	swait.ge [sflag:s30], $0x1180  }
0x34c: {  	[sflag:s30] =	ssyncset.done $0x0  }
0x34d: {  	[sflag:s30] =	ssyncadd.s32 $0xFFFFEE80  }
0x34e: {  	_ =	swait.ge [sflag:s16], $0x1400  }
0x34f: {  	[sflag:s16] =	ssyncset.done $0x0  }
0x350: {  	[sflag:s16] =	ssyncadd.s32 $0xFFFFEC00  }
0x351: {  	_ =	swait.ge [sflag:s15], $0x8C00  }
0x352: {  	[sflag:s15] =	ssyncset.done $0x0  }
0x353: {  	[sflag:s15] =	ssyncadd.s32 $0xFFFF7400  }
0x354: {  	[tilespmem:s22], [sflag:$0x3] =	stream.indirect.gather [hbm4b:s3+s7], $0x8, s2, s7, $0xb8;
	[tilespmem:$0x16800] =	vst v63  }
0x355: {  	_ = 	snop  }
0x356: {  	[tilespmem:s23], [sflag:$0x4] =	stream.indirect.gather [hbm4b:s4+s14], $0x8, s7, s14, $0xb8;
	[tilespmem:$0x16800] =	vst v63  }
0x357: {  	_ =	swait.ge [sflag:s26], $0x1400  }
0x358: {  	[sflag:s26] =	ssyncset.done $0x0  }
0x359: {  	[sflag:s26] =	ssyncadd.s32 $0xFFFFEC00  }
0x35a: {  	_ =	swait.ge [sflag:s25], $0x8C00  }
0x35b: {  	[sflag:s25] =	ssyncset.done $0x0  }
0x35c: {  	[sflag:s25] =	ssyncadd.s32 $0xFFFF7400  }
0x35d: {  	[hbm4b:s17+s2] =	stream.linear.scatter [tilespmem:s22], [sflag:$0x5], $0x1400, $0x38;
	[tilespmem:$0x16800] =	vst v63  }
0x35e: {  	_ = 	snop  }
0x35f: {  	[hbm4b:s18+s2] =	stream.linear.scatter [tilespmem:s23], [sflag:$0x6], $0x8C00, $0x38;
	[tilespmem:$0x16800] =	vst v63  }
0x360: {  	_ =	swait.ge [sflag:s24], $0x280  }
0x361: {  	[sflag:s24] =	ssyncset.done $0x0  }
0x362: {  	[sflag:s24] =	ssyncadd.s32 $0xFFFFFD80  }
0x363: {  	_ =	swait.ge [sflag:s21], $0x1180  }
0x364: {  	[sflag:s21] =	ssyncset.done $0x0  }
0x365: {  	[sflag:s21] =	ssyncadd.s32 $0xFFFFEE80  }
0x366: {  	_ =	swait.ge [sflag:s11], $0x1400  }
0x367: {  	[sflag:s11] =	ssyncset.done $0x0  }
0x368: {  	[sflag:s11] =	ssyncadd.s32 $0xFFFFEC00  }
0x369: {  	_ =	swait.ge [sflag:s10], $0x8C00  }
0x36a: {  	[sflag:s10] =	ssyncset.done $0x0  }
0x36b: {  	[sflag:s10] =	ssyncadd.s32 $0xFFFF7400  }
0x36c: {  	[tilespmem:s12], [sflag:$0x9] =	stream.indirect.gather [hbm4b:s3+s7], $0x8, s8, s7, $0xb8;
	[tilespmem:$0x16800] =	vst v63  }
0x36d: {  	_ = 	snop  }
0x36e: {  	[tilespmem:s13], [sflag:$0xA] =	stream.indirect.gather [hbm4b:s4+s14], $0x8, s9, s14, $0xb8;
	[tilespmem:$0x16800] =	vst v63  }
0x36f: {  	_ =	swait.ge [sflag:s20], $0x1400  }
0x370: {  	[sflag:s20] =	ssyncset.done $0x0  }
0x371: {  	[sflag:s20] =	ssyncadd.s32 $0xFFFFEC00  }
0x372: {  	_ =	swait.ge [sflag:s19], $0x8C00  }
0x373: {  	[sflag:s19] =	ssyncset.done $0x0  }
0x374: {  	[sflag:s19] =	ssyncadd.s32 $0xFFFF7400  }
0x375: {  	[hbm4b:s5+s2] =	stream.linear.scatter [tilespmem:s12], [sflag:$0xB], $0x1400, $0x38;
	[tilespmem:$0x16800] =	vst v63  }
0x376: {  	_ = 	snop  }
0x377: {  	[hbm4b:s6+s2] =	stream.linear.scatter [tilespmem:s13], [sflag:$0xC], $0x8C00, $0x38;
	[tilespmem:$0x16800] =	vst v63  }
0x378: {  	_ =	swait.ge [sflag:s16], $0x1400  }
0x379: {  	[sflag:s16] =	ssyncset.done $0x0  }
0x37a: {  	[sflag:s16] =	ssyncadd.s32 $0xFFFFEC00  }
0x37b: {  	_ =	swait.ge [sflag:s15], $0x8C00  }
0x37c: {  	[sflag:s15] =	ssyncset.done $0x0  }
0x37d: {  	[sflag:s15] =	ssyncadd.s32 $0xFFFF7400  }
0x37e: {  	_ =	swait.ge [sflag:s11], $0x1400  }
0x37f: {  	[sflag:s11] =	ssyncset.done $0x0  }
0x380: {  	[sflag:s11] =	ssyncadd.s32 $0xFFFFEC00  }
0x381: {  	_ =	swait.ge [sflag:s10], $0x8C00  }
0x382: {  	[sflag:s10] =	ssyncset.done $0x0  }
0x383: {  	[sflag:s10] =	ssyncadd.s32 $0xFFFF7400  }
0x384: {  	_ =	sfence.sel $0x180000  }
0x385: {  	[bflag:$0x0] =	sbarrier.arrive $0xFFFF  }
0x386: {  	_ =	strace $0x90000047  }
0x387: {  	s31 =	stileid.u32;
	[bflag:$0x2] =	sbarrier.arrive $0xFFFF  }
0x388: {  	p0 =	sne.s32 s31, $0x0;
	s0 =	rddreg [dreg:$0x2]  }
0x389: {  	s0 =	sadd.s32 @!p0 $0x100000, s0  }
0x38a: {  	[sflag:s0] =	ssyncadd.tile.s32 @!p0 $0x1;
	_ =	shalt  }
.Lfunc_end2:
_tile_overlayer_lowered:
.L_overlay_start_2:
0x38b: {  	(tag) =	ssettag $0x2  }
0x38c: {  	s0 =	rddreg [dreg:$0x0];
	s2 =	stileid.u32  }
0x38d: {  	s1 =	rddreg [dreg:$0x1];
	p0 =	sne.s32 s2, $0x0  }
0x38e: {  	s3 =	rddreg [dreg:$0x2];
	[bflag:$0x3] =	sbarrier.arrive $0xFFFF;
	s2 =	simm.s32 @!p0 $0x1C0D  }
0x38f: {  	[timem:s3], [sflag:s2] =	dma.local @!p0 [hbm:s0], s1  }
0x390: {  	s0 =	simm.s32 @!p0 $0xD  }
0x391: {  	_ =	swait.ge @!p0 [sflag:s0], s1  }
0x392: {  	s1 =	ssub.s32 @!p0 $0x0, s1;
	[sflag:s0] =	ssyncset.done @!p0 $0x0  }
0x393: {  	[sflag:s0] =	ssyncadd.s32 @!p0 s1  }
0x394: {  	[bflag:$0x3] =	sbarrier.arrive $0xFFFF  }
0x395: {  	_ =	shalt  }

</sc_bundles>
